<compile_context>
chip_gen: v7x
topology: tpu7x:2x2x1
jax: 0.10.2.dev20260603
libtpu: 0.0.44.dev20260713+nightly
codegen_flags: <defaults>
</compile_context>

<pallas_src>
import functools

import jax
import jax.numpy as jnp
from jax import lax
from jax.experimental import pallas as pl
from jax.experimental.pallas import tpu as pltpu
from jax.experimental.pallas import tpu_sc as plsc

B = 16384
DIM = 64
RATE_REG = 0.0001
LANES = 16
NC, NS = 2, 16
NW = NC * NS
BPW = B // NW
GCHUNK = 128
NCH = BPW // GCHUNK


def _sc_kernel(users_hbm, pos_hbm, neg_hbm, eu_hbm, ei_hbm,
               d_out, sq_out,
               idx_u, idx_p, idx_n, rows_u, rows_p, rows_n,
               d_part, sq_acc, sems):
    wid = lax.axis_index("s") * NC + lax.axis_index("c")
    base = wid * BPW

    pltpu.sync_copy(users_hbm.at[pl.ds(base, BPW)], idx_u)
    pltpu.sync_copy(pos_hbm.at[pl.ds(base, BPW)], idx_p)
    pltpu.sync_copy(neg_hbm.at[pl.ds(base, BPW)], idx_n)

    copies = []
    for j in range(NCH):
        sl = pl.ds(j * GCHUNK, GCHUNK)
        copies.append(pltpu.async_copy(
            eu_hbm.at[idx_u.at[sl]], rows_u.at[sl], sems.at[0]))
        copies.append(pltpu.async_copy(
            ei_hbm.at[idx_p.at[sl]], rows_p.at[sl], sems.at[1]))
        copies.append(pltpu.async_copy(
            ei_hbm.at[idx_n.at[sl]], rows_n.at[sl], sems.at[2]))
    for c in copies:
        c.wait()

    sq_acc[...] = jnp.zeros((LANES,), jnp.float32)

    @pl.loop(0, BPW)
    def _(i):
        d_vec = None
        s_vec = None
        for c in range(DIM // LANES):
            sl = pl.ds(c * LANES, LANES)
            u = rows_u[i, sl]
            p = rows_p[i, sl]
            n = rows_n[i, sl]
            d_c = u * (p - n)
            s_c = u * u + (p * p + n * n)
            d_vec = d_c if d_vec is None else d_vec + d_c
            s_vec = s_c if s_vec is None else s_vec + s_c
        d_part[i, :] = d_vec
        sq_acc[...] = sq_acc[...] + s_vec

    pltpu.sync_copy(d_part, d_out.at[pl.ds(base, BPW)])
    pltpu.sync_copy(sq_acc, sq_out.at[wid])


def _sc_gather_partials(users, items_pos, items_neg, embed_user, embed_item):
    mesh = plsc.VectorSubcoreMesh(core_axis_name="c", subcore_axis_name="s")
    kern = functools.partial(
        pl.kernel,
        mesh=mesh,
        compiler_params=pltpu.CompilerParams(use_tc_tiling_on_sc=False),
        out_type=(
            jax.ShapeDtypeStruct((B, LANES), jnp.float32),
            jax.ShapeDtypeStruct((NW, LANES), jnp.float32),
        ),
        scratch_types=[
            pltpu.VMEM((BPW,), jnp.int32),
            pltpu.VMEM((BPW,), jnp.int32),
            pltpu.VMEM((BPW,), jnp.int32),
            pltpu.VMEM((BPW, DIM), jnp.float32),
            pltpu.VMEM((BPW, DIM), jnp.float32),
            pltpu.VMEM((BPW, DIM), jnp.float32),
            pltpu.VMEM((BPW, LANES), jnp.float32),
            pltpu.VMEM((LANES,), jnp.float32),
            pltpu.SemaphoreType.DMA((3,)),
        ],
    )(_sc_kernel)
    return kern(users, items_pos, items_neg, embed_user, embed_item)


def _finish_body(d_ref, sq_ref, base_ref, reg_ref):
    d = jnp.sum(d_ref[...], axis=1)
    sp = jnp.maximum(-d, 0.0) + jnp.log1p(jnp.exp(-jnp.abs(d)))
    base_ref[0, 0] = jnp.sum(sp) * (1.0 / B)
    reg_ref[0, 0] = (0.5 * RATE_REG) * jnp.sum(sq_ref[...])


def _tc_finish(d_part, sq_part):
    return pl.pallas_call(
        _finish_body,
        out_shape=(
            jax.ShapeDtypeStruct((1, 1), jnp.float32),
            jax.ShapeDtypeStruct((1, 1), jnp.float32),
        ),
        out_specs=(
            pl.BlockSpec(memory_space=pltpu.SMEM),
            pl.BlockSpec(memory_space=pltpu.SMEM),
        ),
    )(d_part, sq_part)


def kernel(users, items_pos, items_neg, embed_user, embed_item):
    d_part, sq_part = _sc_gather_partials(
        users, items_pos, items_neg, embed_user, embed_item)
    base2d, reg2d = _tc_finish(d_part, sq_part)
    return base2d[0, 0], reg2d[0, 0]

# --- scband reference (transcript-rebuilt; emitter-appended) ---
"""Pipeline reference for scband-vbpr-23802708755176 (READ-ONLY COPY).

The authoritative reference and input builder live on the scoring server;
editing this copy changes nothing except your own understanding.
"""

import jax, jax.numpy as jnp
import numpy as np

N_USERS = 1000000
N_ITEMS = 1000000
DIM = 64
RATE_REG = 0.0001
B = 16384


def setup_inputs(seed: int = 0) -> dict:
    key = jax.random.key(seed)
    k1, k2, k3, k4, k5 = jax.random.split(key, 5)
    users = jax.random.randint(k1, (B,), 0, N_USERS, dtype=jnp.int64 if jax.config.jax_enable_x64 else jnp.int32).astype(jnp.int32)
    items_pos = jax.random.randint(k2, (B,), 0, N_ITEMS).astype(jnp.int32)
    items_neg = jax.random.randint(k3, (B,), 0, N_ITEMS).astype(jnp.int32)
    gain = float(np.sqrt(2.0))  # calculate_gain('relu')
    bound_u = gain * float(np.sqrt(6.0 / (N_USERS + DIM)))
    embed_user = jax.random.uniform(k4, (N_USERS, DIM), minval=-bound_u, maxval=bound_u, dtype=jnp.float32)
    bound_i = gain * float(np.sqrt(6.0 / (N_ITEMS + DIM)))
    embed_item = jax.random.uniform(k5, (N_ITEMS, DIM), minval=-bound_i, maxval=bound_i, dtype=jnp.float32)
    return {
        "users": users,
        "items_pos": items_pos,
        "items_neg": items_neg,
        "embed_user": embed_user,
        "embed_item": embed_item,
    }


def _l2_loss(e):
    return jnp.sum(jnp.sum(e * e, axis=1) / 2.0)


def reference(users, items_pos, items_neg, embed_user, embed_item):
    eu = jnp.take(embed_user, users, axis=0)
    ep = jnp.take(embed_item, items_pos, axis=0)
    en = jnp.take(embed_item, items_neg, axis=0)
    score_pos = jnp.sum(eu * ep, axis=1)
    score_neg = jnp.sum(eu * en, axis=1)
    base_loss = jnp.mean(-1.0 * jax.nn.log_sigmoid(score_pos - score_neg))
    reg_loss = RATE_REG * (_l2_loss(eu) + _l2_loss(ep) + _l2_loss(en))
    return (base_loss, reg_loss)

if __name__ == "__main__":
    import jax
    _d = setup_inputs()
    print(jax.jit(kernel)(*tuple(_d.values())))

</pallas_src>

<mosaic_0001>
#map = affine_map<(d0, d1) -> (0)>
#map1 = affine_map<(d0, d1) -> (0, 0)>
module attributes {stable_mosaic.version = 14 : i64} {
  func.func @_sc_kernel(%arg0: i32, %arg1: i32, %arg2: memref<16384xi32, #tpu.memory_space<hbm>>, %arg3: memref<16384xi32, #tpu.memory_space<hbm>>, %arg4: memref<16384xi32, #tpu.memory_space<hbm>>, %arg5: memref<1000000x64xf32, #tpu.memory_space<hbm>>, %arg6: memref<1000000x64xf32, #tpu.memory_space<hbm>>, %arg7: memref<16384x16xf32, #tpu.memory_space<hbm>>, %arg8: memref<32x16xf32, #tpu.memory_space<hbm>>, %arg9: memref<512xi32, #tpu.memory_space<vmem>>, %arg10: memref<512xi32, #tpu.memory_space<vmem>>, %arg11: memref<512xi32, #tpu.memory_space<vmem>>, %arg12: memref<512x64xf32, #tpu.memory_space<vmem>>, %arg13: memref<512x64xf32, #tpu.memory_space<vmem>>, %arg14: memref<512x64xf32, #tpu.memory_space<vmem>>, %arg15: memref<512x16xf32, #tpu.memory_space<vmem>>, %arg16: memref<16xf32, #tpu.memory_space<vmem>>, %arg17: memref<3x!tpu.dma_semaphore, #tpu.memory_space<semaphore_mem>>) attributes {dimension_semantics = [#tpu.dimension_semantics<core_parallel>, #tpu.dimension_semantics<subcore_parallel>], iteration_bounds = array<i64: 2, 16>, scalar_prefetch = 0 : i64, scratch_operands = 9 : i64, tpu.core_type = #tpu.core_type<sc_vector_subcore>, window_params = [{transform_indices = #map}, {transform_indices = #map}, {transform_indices = #map}, {transform_indices = #map1}, {transform_indices = #map1}, {transform_indices = #map1}, {transform_indices = #map1}]} {
    %mul3A = arith.constant 2 : i32
    %mul3A_0 = arith.muli %arg1, %mul3A : i32
    %add3A = arith.addi %mul3A_0, %arg0 : i32
    %mul3A_1 = arith.constant 512 : i32
    %mul3A_2 = arith.muli %add3A, %mul3A_1 : i32
    "tpu.region"() ({
      %run_scoped3A = tpu.sem_alloc : memref<!tpu.dma_semaphore, #tpu.memory_space<semaphore_mem>>
      %dma_start3A_273 = tpu.memref_slice %arg2[%mul3A_2] : memref<16384xi32, #tpu.memory_space<hbm>> -> memref<512xi32, #tpu.memory_space<hbm>>
      %dma_start3A_274 = tpu.memref_slice %arg2[%mul3A_2] : memref<16384xi32, #tpu.memory_space<hbm>> -> memref<512xi32, #tpu.memory_space<hbm>>
      tpu.enqueue_dma source(%dma_start3A_274 : memref<512xi32, #tpu.memory_space<hbm>>) target(%arg9 : memref<512xi32, #tpu.memory_space<vmem>>) target_semaphore(%run_scoped3A : memref<!tpu.dma_semaphore, #tpu.memory_space<semaphore_mem>>)
      %dma_wait3A_275 = tpu.memref_slice %arg2[%mul3A_2] : memref<16384xi32, #tpu.memory_space<hbm>> -> memref<512xi32, #tpu.memory_space<hbm>>
      %dma_wait3A_276 = tpu.memref_slice %arg2[%mul3A_2] : memref<16384xi32, #tpu.memory_space<hbm>> -> memref<512xi32, #tpu.memory_space<hbm>>
      tpu.wait_dma2 semaphore(%run_scoped3A : memref<!tpu.dma_semaphore, #tpu.memory_space<semaphore_mem>>) src(%dma_wait3A_276 : memref<512xi32, #tpu.memory_space<hbm>>) dst(%arg9 : memref<512xi32, #tpu.memory_space<vmem>>)
      tpu.yield
    }) : () -> ()
    "tpu.region"() ({
      %run_scoped3A = tpu.sem_alloc : memref<!tpu.dma_semaphore, #tpu.memory_space<semaphore_mem>>
      %dma_start3A_273 = tpu.memref_slice %arg3[%mul3A_2] : memref<16384xi32, #tpu.memory_space<hbm>> -> memref<512xi32, #tpu.memory_space<hbm>>
      %dma_start3A_274 = tpu.memref_slice %arg3[%mul3A_2] : memref<16384xi32, #tpu.memory_space<hbm>> -> memref<512xi32, #tpu.memory_space<hbm>>
      tpu.enqueue_dma source(%dma_start3A_274 : memref<512xi32, #tpu.memory_space<hbm>>) target(%arg10 : memref<512xi32, #tpu.memory_space<vmem>>) target_semaphore(%run_scoped3A : memref<!tpu.dma_semaphore, #tpu.memory_space<semaphore_mem>>)
      %dma_wait3A_275 = tpu.memref_slice %arg3[%mul3A_2] : memref<16384xi32, #tpu.memory_space<hbm>> -> memref<512xi32, #tpu.memory_space<hbm>>
      %dma_wait3A_276 = tpu.memref_slice %arg3[%mul3A_2] : memref<16384xi32, #tpu.memory_space<hbm>> -> memref<512xi32, #tpu.memory_space<hbm>>
      tpu.wait_dma2 semaphore(%run_scoped3A : memref<!tpu.dma_semaphore, #tpu.memory_space<semaphore_mem>>) src(%dma_wait3A_276 : memref<512xi32, #tpu.memory_space<hbm>>) dst(%arg10 : memref<512xi32, #tpu.memory_space<vmem>>)
      tpu.yield
    }) : () -> ()
    "tpu.region"() ({
      %run_scoped3A = tpu.sem_alloc : memref<!tpu.dma_semaphore, #tpu.memory_space<semaphore_mem>>
      %dma_start3A_273 = tpu.memref_slice %arg4[%mul3A_2] : memref<16384xi32, #tpu.memory_space<hbm>> -> memref<512xi32, #tpu.memory_space<hbm>>
      %dma_start3A_274 = tpu.memref_slice %arg4[%mul3A_2] : memref<16384xi32, #tpu.memory_space<hbm>> -> memref<512xi32, #tpu.memory_space<hbm>>
      tpu.enqueue_dma source(%dma_start3A_274 : memref<512xi32, #tpu.memory_space<hbm>>) target(%arg11 : memref<512xi32, #tpu.memory_space<vmem>>) target_semaphore(%run_scoped3A : memref<!tpu.dma_semaphore, #tpu.memory_space<semaphore_mem>>)
      %dma_wait3A_275 = tpu.memref_slice %arg4[%mul3A_2] : memref<16384xi32, #tpu.memory_space<hbm>> -> memref<512xi32, #tpu.memory_space<hbm>>
      %dma_wait3A_276 = tpu.memref_slice %arg4[%mul3A_2] : memref<16384xi32, #tpu.memory_space<hbm>> -> memref<512xi32, #tpu.memory_space<hbm>>
      tpu.wait_dma2 semaphore(%run_scoped3A : memref<!tpu.dma_semaphore, #tpu.memory_space<semaphore_mem>>) src(%dma_wait3A_276 : memref<512xi32, #tpu.memory_space<hbm>>) dst(%arg11 : memref<512xi32, #tpu.memory_space<vmem>>)
      tpu.yield
    }) : () -> ()
    %dma_start3A = arith.constant 0 : i32
    %dma_start3A_3 = arith.constant 0 : i32
    %dma_start3A_4 = arith.constant 0 : i32
    %dma_start3A_5 = tpu.memref_slice %arg12[%dma_start3A_3, %dma_start3A_4] : memref<512x64xf32, #tpu.memory_space<vmem>> -> memref<128x64xf32, #tpu.memory_space<vmem>>
    %dma_start3A_6 = arith.constant 0 : i32
    %dma_start3A_7 = tpu.memref_slice %arg9[%dma_start3A_6] : memref<512xi32, #tpu.memory_space<vmem>> -> memref<128xi32, #tpu.memory_space<vmem>>
    %dma_start3A_8 = arith.constant 0 : i32
    %dma_start3A_9 = arith.constant 0 : i32
    %dma_start3A_10 = tpu.memref_slice %arg5[%dma_start3A_8, %dma_start3A_9] : memref<1000000x64xf32, #tpu.memory_space<hbm>> -> memref<1000000x64xf32, #tpu.memory_space<hbm>>
    %dma_start3A_11 = tpu.memref_slice %arg17[%dma_start3A] : memref<3x!tpu.dma_semaphore, #tpu.memory_space<semaphore_mem>> -> memref<1x!tpu.dma_semaphore, #tpu.memory_space<semaphore_mem>>
    %dma_start3A_12 = tpu.memref_squeeze %dma_start3A_11 : memref<1x!tpu.dma_semaphore, #tpu.memory_space<semaphore_mem>> -> memref<!tpu.dma_semaphore, #tpu.memory_space<semaphore_mem>>
    tpu.enqueue_indirect_dma source(%dma_start3A_10 : memref<1000000x64xf32, #tpu.memory_space<hbm>>) target(%dma_start3A_5 : memref<128x64xf32, #tpu.memory_space<vmem>>) offsets(%dma_start3A_7 : memref<128xi32, #tpu.memory_space<vmem>>) semaphore(%dma_start3A_12 : memref<!tpu.dma_semaphore, #tpu.memory_space<semaphore_mem>>)
    %dma_start3A_13 = arith.constant 1 : i32
    %dma_start3A_14 = arith.constant 0 : i32
    %dma_start3A_15 = arith.constant 0 : i32
    %dma_start3A_16 = tpu.memref_slice %arg13[%dma_start3A_14, %dma_start3A_15] : memref<512x64xf32, #tpu.memory_space<vmem>> -> memref<128x64xf32, #tpu.memory_space<vmem>>
    %dma_start3A_17 = arith.constant 0 : i32
    %dma_start3A_18 = tpu.memref_slice %arg10[%dma_start3A_17] : memref<512xi32, #tpu.memory_space<vmem>> -> memref<128xi32, #tpu.memory_space<vmem>>
    %dma_start3A_19 = arith.constant 0 : i32
    %dma_start3A_20 = arith.constant 0 : i32
    %dma_start3A_21 = tpu.memref_slice %arg6[%dma_start3A_19, %dma_start3A_20] : memref<1000000x64xf32, #tpu.memory_space<hbm>> -> memref<1000000x64xf32, #tpu.memory_space<hbm>>
    %dma_start3A_22 = tpu.memref_slice %arg17[%dma_start3A_13] : memref<3x!tpu.dma_semaphore, #tpu.memory_space<semaphore_mem>> -> memref<1x!tpu.dma_semaphore, #tpu.memory_space<semaphore_mem>>
    %dma_start3A_23 = tpu.memref_squeeze %dma_start3A_22 : memref<1x!tpu.dma_semaphore, #tpu.memory_space<semaphore_mem>> -> memref<!tpu.dma_semaphore, #tpu.memory_space<semaphore_mem>>
    tpu.enqueue_indirect_dma source(%dma_start3A_21 : memref<1000000x64xf32, #tpu.memory_space<hbm>>) target(%dma_start3A_16 : memref<128x64xf32, #tpu.memory_space<vmem>>) offsets(%dma_start3A_18 : memref<128xi32, #tpu.memory_space<vmem>>) semaphore(%dma_start3A_23 : memref<!tpu.dma_semaphore, #tpu.memory_space<semaphore_mem>>)
    %dma_start3A_24 = arith.constant 2 : i32
    %dma_start3A_25 = arith.constant 0 : i32
    %dma_start3A_26 = arith.constant 0 : i32
    %dma_start3A_27 = tpu.memref_slice %arg14[%dma_start3A_25, %dma_start3A_26] : memref<512x64xf32, #tpu.memory_space<vmem>> -> memref<128x64xf32, #tpu.memory_space<vmem>>
    %dma_start3A_28 = arith.constant 0 : i32
    %dma_start3A_29 = tpu.memref_slice %arg11[%dma_start3A_28] : memref<512xi32, #tpu.memory_space<vmem>> -> memref<128xi32, #tpu.memory_space<vmem>>
    %dma_start3A_30 = arith.constant 0 : i32
    %dma_start3A_31 = arith.constant 0 : i32
    %dma_start3A_32 = tpu.memref_slice %arg6[%dma_start3A_30, %dma_start3A_31] : memref<1000000x64xf32, #tpu.memory_space<hbm>> -> memref<1000000x64xf32, #tpu.memory_space<hbm>>
    %dma_start3A_33 = tpu.memref_slice %arg17[%dma_start3A_24] : memref<3x!tpu.dma_semaphore, #tpu.memory_space<semaphore_mem>> -> memref<1x!tpu.dma_semaphore, #tpu.memory_space<semaphore_mem>>
    %dma_start3A_34 = tpu.memref_squeeze %dma_start3A_33 : memref<1x!tpu.dma_semaphore, #tpu.memory_space<semaphore_mem>> -> memref<!tpu.dma_semaphore, #tpu.memory_space<semaphore_mem>>
    tpu.enqueue_indirect_dma source(%dma_start3A_32 : memref<1000000x64xf32, #tpu.memory_space<hbm>>) target(%dma_start3A_27 : memref<128x64xf32, #tpu.memory_space<vmem>>) offsets(%dma_start3A_29 : memref<128xi32, #tpu.memory_space<vmem>>) semaphore(%dma_start3A_34 : memref<!tpu.dma_semaphore, #tpu.memory_space<semaphore_mem>>)
    %dma_start3A_35 = arith.constant 0 : i32
    %dma_start3A_36 = arith.constant 128 : i32
    %dma_start3A_37 = arith.constant 0 : i32
    %dma_start3A_38 = tpu.memref_slice %arg12[%dma_start3A_36, %dma_start3A_37] : memref<512x64xf32, #tpu.memory_space<vmem>> -> memref<128x64xf32, #tpu.memory_space<vmem>>
    %dma_start3A_39 = arith.constant 128 : i32
    %dma_start3A_40 = tpu.memref_slice %arg9[%dma_start3A_39] : memref<512xi32, #tpu.memory_space<vmem>> -> memref<128xi32, #tpu.memory_space<vmem>>
    %dma_start3A_41 = arith.constant 0 : i32
    %dma_start3A_42 = arith.constant 0 : i32
    %dma_start3A_43 = tpu.memref_slice %arg5[%dma_start3A_41, %dma_start3A_42] : memref<1000000x64xf32, #tpu.memory_space<hbm>> -> memref<1000000x64xf32, #tpu.memory_space<hbm>>
    %dma_start3A_44 = tpu.memref_slice %arg17[%dma_start3A_35] : memref<3x!tpu.dma_semaphore, #tpu.memory_space<semaphore_mem>> -> memref<1x!tpu.dma_semaphore, #tpu.memory_space<semaphore_mem>>
    %dma_start3A_45 = tpu.memref_squeeze %dma_start3A_44 : memref<1x!tpu.dma_semaphore, #tpu.memory_space<semaphore_mem>> -> memref<!tpu.dma_semaphore, #tpu.memory_space<semaphore_mem>>
    tpu.enqueue_indirect_dma source(%dma_start3A_43 : memref<1000000x64xf32, #tpu.memory_space<hbm>>) target(%dma_start3A_38 : memref<128x64xf32, #tpu.memory_space<vmem>>) offsets(%dma_start3A_40 : memref<128xi32, #tpu.memory_space<vmem>>) semaphore(%dma_start3A_45 : memref<!tpu.dma_semaphore, #tpu.memory_space<semaphore_mem>>)
    %dma_start3A_46 = arith.constant 1 : i32
    %dma_start3A_47 = arith.constant 128 : i32
    %dma_start3A_48 = arith.constant 0 : i32
    %dma_start3A_49 = tpu.memref_slice %arg13[%dma_start3A_47, %dma_start3A_48] : memref<512x64xf32, #tpu.memory_space<vmem>> -> memref<128x64xf32, #tpu.memory_space<vmem>>
    %dma_start3A_50 = arith.constant 128 : i32
    %dma_start3A_51 = tpu.memref_slice %arg10[%dma_start3A_50] : memref<512xi32, #tpu.memory_space<vmem>> -> memref<128xi32, #tpu.memory_space<vmem>>
    %dma_start3A_52 = arith.constant 0 : i32
    %dma_start3A_53 = arith.constant 0 : i32
    %dma_start3A_54 = tpu.memref_slice %arg6[%dma_start3A_52, %dma_start3A_53] : memref<1000000x64xf32, #tpu.memory_space<hbm>> -> memref<1000000x64xf32, #tpu.memory_space<hbm>>
    %dma_start3A_55 = tpu.memref_slice %arg17[%dma_start3A_46] : memref<3x!tpu.dma_semaphore, #tpu.memory_space<semaphore_mem>> -> memref<1x!tpu.dma_semaphore, #tpu.memory_space<semaphore_mem>>
    %dma_start3A_56 = tpu.memref_squeeze %dma_start3A_55 : memref<1x!tpu.dma_semaphore, #tpu.memory_space<semaphore_mem>> -> memref<!tpu.dma_semaphore, #tpu.memory_space<semaphore_mem>>
    tpu.enqueue_indirect_dma source(%dma_start3A_54 : memref<1000000x64xf32, #tpu.memory_space<hbm>>) target(%dma_start3A_49 : memref<128x64xf32, #tpu.memory_space<vmem>>) offsets(%dma_start3A_51 : memref<128xi32, #tpu.memory_space<vmem>>) semaphore(%dma_start3A_56 : memref<!tpu.dma_semaphore, #tpu.memory_space<semaphore_mem>>)
    %dma_start3A_57 = arith.constant 2 : i32
    %dma_start3A_58 = arith.constant 128 : i32
    %dma_start3A_59 = arith.constant 0 : i32
    %dma_start3A_60 = tpu.memref_slice %arg14[%dma_start3A_58, %dma_start3A_59] : memref<512x64xf32, #tpu.memory_space<vmem>> -> memref<128x64xf32, #tpu.memory_space<vmem>>
    %dma_start3A_61 = arith.constant 128 : i32
    %dma_start3A_62 = tpu.memref_slice %arg11[%dma_start3A_61] : memref<512xi32, #tpu.memory_space<vmem>> -> memref<128xi32, #tpu.memory_space<vmem>>
    %dma_start3A_63 = arith.constant 0 : i32
    %dma_start3A_64 = arith.constant 0 : i32
    %dma_start3A_65 = tpu.memref_slice %arg6[%dma_start3A_63, %dma_start3A_64] : memref<1000000x64xf32, #tpu.memory_space<hbm>> -> memref<1000000x64xf32, #tpu.memory_space<hbm>>
    %dma_start3A_66 = tpu.memref_slice %arg17[%dma_start3A_57] : memref<3x!tpu.dma_semaphore, #tpu.memory_space<semaphore_mem>> -> memref<1x!tpu.dma_semaphore, #tpu.memory_space<semaphore_mem>>
    %dma_start3A_67 = tpu.memref_squeeze %dma_start3A_66 : memref<1x!tpu.dma_semaphore, #tpu.memory_space<semaphore_mem>> -> memref<!tpu.dma_semaphore, #tpu.memory_space<semaphore_mem>>
    tpu.enqueue_indirect_dma source(%dma_start3A_65 : memref<1000000x64xf32, #tpu.memory_space<hbm>>) target(%dma_start3A_60 : memref<128x64xf32, #tpu.memory_space<vmem>>) offsets(%dma_start3A_62 : memref<128xi32, #tpu.memory_space<vmem>>) semaphore(%dma_start3A_67 : memref<!tpu.dma_semaphore, #tpu.memory_space<semaphore_mem>>)
    %dma_start3A_68 = arith.constant 0 : i32
    %dma_start3A_69 = arith.constant 256 : i32
    %dma_start3A_70 = arith.constant 0 : i32
    %dma_start3A_71 = tpu.memref_slice %arg12[%dma_start3A_69, %dma_start3A_70] : memref<512x64xf32, #tpu.memory_space<vmem>> -> memref<128x64xf32, #tpu.memory_space<vmem>>
    %dma_start3A_72 = arith.constant 256 : i32
    %dma_start3A_73 = tpu.memref_slice %arg9[%dma_start3A_72] : memref<512xi32, #tpu.memory_space<vmem>> -> memref<128xi32, #tpu.memory_space<vmem>>
    %dma_start3A_74 = arith.constant 0 : i32
    %dma_start3A_75 = arith.constant 0 : i32
    %dma_start3A_76 = tpu.memref_slice %arg5[%dma_start3A_74, %dma_start3A_75] : memref<1000000x64xf32, #tpu.memory_space<hbm>> -> memref<1000000x64xf32, #tpu.memory_space<hbm>>
    %dma_start3A_77 = tpu.memref_slice %arg17[%dma_start3A_68] : memref<3x!tpu.dma_semaphore, #tpu.memory_space<semaphore_mem>> -> memref<1x!tpu.dma_semaphore, #tpu.memory_space<semaphore_mem>>
    %dma_start3A_78 = tpu.memref_squeeze %dma_start3A_77 : memref<1x!tpu.dma_semaphore, #tpu.memory_space<semaphore_mem>> -> memref<!tpu.dma_semaphore, #tpu.memory_space<semaphore_mem>>
    tpu.enqueue_indirect_dma source(%dma_start3A_76 : memref<1000000x64xf32, #tpu.memory_space<hbm>>) target(%dma_start3A_71 : memref<128x64xf32, #tpu.memory_space<vmem>>) offsets(%dma_start3A_73 : memref<128xi32, #tpu.memory_space<vmem>>) semaphore(%dma_start3A_78 : memref<!tpu.dma_semaphore, #tpu.memory_space<semaphore_mem>>)
    %dma_start3A_79 = arith.constant 1 : i32
    %dma_start3A_80 = arith.constant 256 : i32
    %dma_start3A_81 = arith.constant 0 : i32
    %dma_start3A_82 = tpu.memref_slice %arg13[%dma_start3A_80, %dma_start3A_81] : memref<512x64xf32, #tpu.memory_space<vmem>> -> memref<128x64xf32, #tpu.memory_space<vmem>>
    %dma_start3A_83 = arith.constant 256 : i32
    %dma_start3A_84 = tpu.memref_slice %arg10[%dma_start3A_83] : memref<512xi32, #tpu.memory_space<vmem>> -> memref<128xi32, #tpu.memory_space<vmem>>
    %dma_start3A_85 = arith.constant 0 : i32
    %dma_start3A_86 = arith.constant 0 : i32
    %dma_start3A_87 = tpu.memref_slice %arg6[%dma_start3A_85, %dma_start3A_86] : memref<1000000x64xf32, #tpu.memory_space<hbm>> -> memref<1000000x64xf32, #tpu.memory_space<hbm>>
    %dma_start3A_88 = tpu.memref_slice %arg17[%dma_start3A_79] : memref<3x!tpu.dma_semaphore, #tpu.memory_space<semaphore_mem>> -> memref<1x!tpu.dma_semaphore, #tpu.memory_space<semaphore_mem>>
    %dma_start3A_89 = tpu.memref_squeeze %dma_start3A_88 : memref<1x!tpu.dma_semaphore, #tpu.memory_space<semaphore_mem>> -> memref<!tpu.dma_semaphore, #tpu.memory_space<semaphore_mem>>
    tpu.enqueue_indirect_dma source(%dma_start3A_87 : memref<1000000x64xf32, #tpu.memory_space<hbm>>) target(%dma_start3A_82 : memref<128x64xf32, #tpu.memory_space<vmem>>) offsets(%dma_start3A_84 : memref<128xi32, #tpu.memory_space<vmem>>) semaphore(%dma_start3A_89 : memref<!tpu.dma_semaphore, #tpu.memory_space<semaphore_mem>>)
    %dma_start3A_90 = arith.constant 2 : i32
    %dma_start3A_91 = arith.constant 256 : i32
    %dma_start3A_92 = arith.constant 0 : i32
    %dma_start3A_93 = tpu.memref_slice %arg14[%dma_start3A_91, %dma_start3A_92] : memref<512x64xf32, #tpu.memory_space<vmem>> -> memref<128x64xf32, #tpu.memory_space<vmem>>
    %dma_start3A_94 = arith.constant 256 : i32
    %dma_start3A_95 = tpu.memref_slice %arg11[%dma_start3A_94] : memref<512xi32, #tpu.memory_space<vmem>> -> memref<128xi32, #tpu.memory_space<vmem>>
    %dma_start3A_96 = arith.constant 0 : i32
    %dma_start3A_97 = arith.constant 0 : i32
    %dma_start3A_98 = tpu.memref_slice %arg6[%dma_start3A_96, %dma_start3A_97] : memref<1000000x64xf32, #tpu.memory_space<hbm>> -> memref<1000000x64xf32, #tpu.memory_space<hbm>>
    %dma_start3A_99 = tpu.memref_slice %arg17[%dma_start3A_90] : memref<3x!tpu.dma_semaphore, #tpu.memory_space<semaphore_mem>> -> memref<1x!tpu.dma_semaphore, #tpu.memory_space<semaphore_mem>>
    %dma_start3A_100 = tpu.memref_squeeze %dma_start3A_99 : memref<1x!tpu.dma_semaphore, #tpu.memory_space<semaphore_mem>> -> memref<!tpu.dma_semaphore, #tpu.memory_space<semaphore_mem>>
    tpu.enqueue_indirect_dma source(%dma_start3A_98 : memref<1000000x64xf32, #tpu.memory_space<hbm>>) target(%dma_start3A_93 : memref<128x64xf32, #tpu.memory_space<vmem>>) offsets(%dma_start3A_95 : memref<128xi32, #tpu.memory_space<vmem>>) semaphore(%dma_start3A_100 : memref<!tpu.dma_semaphore, #tpu.memory_space<semaphore_mem>>)
    %dma_start3A_101 = arith.constant 0 : i32
    %dma_start3A_102 = arith.constant 384 : i32
    %dma_start3A_103 = arith.constant 0 : i32
    %dma_start3A_104 = tpu.memref_slice %arg12[%dma_start3A_102, %dma_start3A_103] : memref<512x64xf32, #tpu.memory_space<vmem>> -> memref<128x64xf32, #tpu.memory_space<vmem>>
    %dma_start3A_105 = arith.constant 384 : i32
    %dma_start3A_106 = tpu.memref_slice %arg9[%dma_start3A_105] : memref<512xi32, #tpu.memory_space<vmem>> -> memref<128xi32, #tpu.memory_space<vmem>>
    %dma_start3A_107 = arith.constant 0 : i32
    %dma_start3A_108 = arith.constant 0 : i32
    %dma_start3A_109 = tpu.memref_slice %arg5[%dma_start3A_107, %dma_start3A_108] : memref<1000000x64xf32, #tpu.memory_space<hbm>> -> memref<1000000x64xf32, #tpu.memory_space<hbm>>
    %dma_start3A_110 = tpu.memref_slice %arg17[%dma_start3A_101] : memref<3x!tpu.dma_semaphore, #tpu.memory_space<semaphore_mem>> -> memref<1x!tpu.dma_semaphore, #tpu.memory_space<semaphore_mem>>
    %dma_start3A_111 = tpu.memref_squeeze %dma_start3A_110 : memref<1x!tpu.dma_semaphore, #tpu.memory_space<semaphore_mem>> -> memref<!tpu.dma_semaphore, #tpu.memory_space<semaphore_mem>>
    tpu.enqueue_indirect_dma source(%dma_start3A_109 : memref<1000000x64xf32, #tpu.memory_space<hbm>>) target(%dma_start3A_104 : memref<128x64xf32, #tpu.memory_space<vmem>>) offsets(%dma_start3A_106 : memref<128xi32, #tpu.memory_space<vmem>>) semaphore(%dma_start3A_111 : memref<!tpu.dma_semaphore, #tpu.memory_space<semaphore_mem>>)
    %dma_start3A_112 = arith.constant 1 : i32
    %dma_start3A_113 = arith.constant 384 : i32
    %dma_start3A_114 = arith.constant 0 : i32
    %dma_start3A_115 = tpu.memref_slice %arg13[%dma_start3A_113, %dma_start3A_114] : memref<512x64xf32, #tpu.memory_space<vmem>> -> memref<128x64xf32, #tpu.memory_space<vmem>>
    %dma_start3A_116 = arith.constant 384 : i32
    %dma_start3A_117 = tpu.memref_slice %arg10[%dma_start3A_116] : memref<512xi32, #tpu.memory_space<vmem>> -> memref<128xi32, #tpu.memory_space<vmem>>
    %dma_start3A_118 = arith.constant 0 : i32
    %dma_start3A_119 = arith.constant 0 : i32
    %dma_start3A_120 = tpu.memref_slice %arg6[%dma_start3A_118, %dma_start3A_119] : memref<1000000x64xf32, #tpu.memory_space<hbm>> -> memref<1000000x64xf32, #tpu.memory_space<hbm>>
    %dma_start3A_121 = tpu.memref_slice %arg17[%dma_start3A_112] : memref<3x!tpu.dma_semaphore, #tpu.memory_space<semaphore_mem>> -> memref<1x!tpu.dma_semaphore, #tpu.memory_space<semaphore_mem>>
    %dma_start3A_122 = tpu.memref_squeeze %dma_start3A_121 : memref<1x!tpu.dma_semaphore, #tpu.memory_space<semaphore_mem>> -> memref<!tpu.dma_semaphore, #tpu.memory_space<semaphore_mem>>
    tpu.enqueue_indirect_dma source(%dma_start3A_120 : memref<1000000x64xf32, #tpu.memory_space<hbm>>) target(%dma_start3A_115 : memref<128x64xf32, #tpu.memory_space<vmem>>) offsets(%dma_start3A_117 : memref<128xi32, #tpu.memory_space<vmem>>) semaphore(%dma_start3A_122 : memref<!tpu.dma_semaphore, #tpu.memory_space<semaphore_mem>>)
    %dma_start3A_123 = arith.constant 2 : i32
    %dma_start3A_124 = arith.constant 384 : i32
    %dma_start3A_125 = arith.constant 0 : i32
    %dma_start3A_126 = tpu.memref_slice %arg14[%dma_start3A_124, %dma_start3A_125] : memref<512x64xf32, #tpu.memory_space<vmem>> -> memref<128x64xf32, #tpu.memory_space<vmem>>
    %dma_start3A_127 = arith.constant 384 : i32
    %dma_start3A_128 = tpu.memref_slice %arg11[%dma_start3A_127] : memref<512xi32, #tpu.memory_space<vmem>> -> memref<128xi32, #tpu.memory_space<vmem>>
    %dma_start3A_129 = arith.constant 0 : i32
    %dma_start3A_130 = arith.constant 0 : i32
    %dma_start3A_131 = tpu.memref_slice %arg6[%dma_start3A_129, %dma_start3A_130] : memref<1000000x64xf32, #tpu.memory_space<hbm>> -> memref<1000000x64xf32, #tpu.memory_space<hbm>>
    %dma_start3A_132 = tpu.memref_slice %arg17[%dma_start3A_123] : memref<3x!tpu.dma_semaphore, #tpu.memory_space<semaphore_mem>> -> memref<1x!tpu.dma_semaphore, #tpu.memory_space<semaphore_mem>>
    %dma_start3A_133 = tpu.memref_squeeze %dma_start3A_132 : memref<1x!tpu.dma_semaphore, #tpu.memory_space<semaphore_mem>> -> memref<!tpu.dma_semaphore, #tpu.memory_space<semaphore_mem>>
    tpu.enqueue_indirect_dma source(%dma_start3A_131 : memref<1000000x64xf32, #tpu.memory_space<hbm>>) target(%dma_start3A_126 : memref<128x64xf32, #tpu.memory_space<vmem>>) offsets(%dma_start3A_128 : memref<128xi32, #tpu.memory_space<vmem>>) semaphore(%dma_start3A_133 : memref<!tpu.dma_semaphore, #tpu.memory_space<semaphore_mem>>)
    %dma_wait3A = arith.constant 0 : i32
    %dma_wait3A_134 = arith.constant 0 : i32
    %dma_wait3A_135 = arith.constant 0 : i32
    %dma_wait3A_136 = tpu.memref_slice %arg12[%dma_wait3A_134, %dma_wait3A_135] : memref<512x64xf32, #tpu.memory_space<vmem>> -> memref<128x64xf32, #tpu.memory_space<vmem>>
    %dma_wait3A_137 = arith.constant 0 : i32
    %dma_wait3A_138 = tpu.memref_slice %arg9[%dma_wait3A_137] : memref<512xi32, #tpu.memory_space<vmem>> -> memref<128xi32, #tpu.memory_space<vmem>>
    %dma_wait3A_139 = arith.constant 0 : i32
    %dma_wait3A_140 = arith.constant 0 : i32
    %dma_wait3A_141 = tpu.memref_slice %arg5[%dma_wait3A_139, %dma_wait3A_140] : memref<1000000x64xf32, #tpu.memory_space<hbm>> -> memref<1000000x64xf32, #tpu.memory_space<hbm>>
    %dma_wait3A_142 = tpu.memref_slice %arg17[%dma_wait3A] : memref<3x!tpu.dma_semaphore, #tpu.memory_space<semaphore_mem>> -> memref<1x!tpu.dma_semaphore, #tpu.memory_space<semaphore_mem>>
    %dma_wait3A_143 = tpu.memref_squeeze %dma_wait3A_142 : memref<1x!tpu.dma_semaphore, #tpu.memory_space<semaphore_mem>> -> memref<!tpu.dma_semaphore, #tpu.memory_space<semaphore_mem>>
    tpu.wait_indirect_dma semaphore(%dma_wait3A_143 : memref<!tpu.dma_semaphore, #tpu.memory_space<semaphore_mem>>) src(%dma_wait3A_141 : memref<1000000x64xf32, #tpu.memory_space<hbm>>) dst(%dma_wait3A_136 : memref<128x64xf32, #tpu.memory_space<vmem>>)
    %dma_wait3A_144 = arith.constant 1 : i32
    %dma_wait3A_145 = arith.constant 0 : i32
    %dma_wait3A_146 = arith.constant 0 : i32
    %dma_wait3A_147 = tpu.memref_slice %arg13[%dma_wait3A_145, %dma_wait3A_146] : memref<512x64xf32, #tpu.memory_space<vmem>> -> memref<128x64xf32, #tpu.memory_space<vmem>>
    %dma_wait3A_148 = arith.constant 0 : i32
    %dma_wait3A_149 = tpu.memref_slice %arg10[%dma_wait3A_148] : memref<512xi32, #tpu.memory_space<vmem>> -> memref<128xi32, #tpu.memory_space<vmem>>
    %dma_wait3A_150 = arith.constant 0 : i32
    %dma_wait3A_151 = arith.constant 0 : i32
    %dma_wait3A_152 = tpu.memref_slice %arg6[%dma_wait3A_150, %dma_wait3A_151] : memref<1000000x64xf32, #tpu.memory_space<hbm>> -> memref<1000000x64xf32, #tpu.memory_space<hbm>>
    %dma_wait3A_153 = tpu.memref_slice %arg17[%dma_wait3A_144] : memref<3x!tpu.dma_semaphore, #tpu.memory_space<semaphore_mem>> -> memref<1x!tpu.dma_semaphore, #tpu.memory_space<semaphore_mem>>
    %dma_wait3A_154 = tpu.memref_squeeze %dma_wait3A_153 : memref<1x!tpu.dma_semaphore, #tpu.memory_space<semaphore_mem>> -> memref<!tpu.dma_semaphore, #tpu.memory_space<semaphore_mem>>
    tpu.wait_indirect_dma semaphore(%dma_wait3A_154 : memref<!tpu.dma_semaphore, #tpu.memory_space<semaphore_mem>>) src(%dma_wait3A_152 : memref<1000000x64xf32, #tpu.memory_space<hbm>>) dst(%dma_wait3A_147 : memref<128x64xf32, #tpu.memory_space<vmem>>)
    %dma_wait3A_155 = arith.constant 2 : i32
    %dma_wait3A_156 = arith.constant 0 : i32
    %dma_wait3A_157 = arith.constant 0 : i32
    %dma_wait3A_158 = tpu.memref_slice %arg14[%dma_wait3A_156, %dma_wait3A_157] : memref<512x64xf32, #tpu.memory_space<vmem>> -> memref<128x64xf32, #tpu.memory_space<vmem>>
    %dma_wait3A_159 = arith.constant 0 : i32
    %dma_wait3A_160 = tpu.memref_slice %arg11[%dma_wait3A_159] : memref<512xi32, #tpu.memory_space<vmem>> -> memref<128xi32, #tpu.memory_space<vmem>>
    %dma_wait3A_161 = arith.constant 0 : i32
    %dma_wait3A_162 = arith.constant 0 : i32
    %dma_wait3A_163 = tpu.memref_slice %arg6[%dma_wait3A_161, %dma_wait3A_162] : memref<1000000x64xf32, #tpu.memory_space<hbm>> -> memref<1000000x64xf32, #tpu.memory_space<hbm>>
    %dma_wait3A_164 = tpu.memref_slice %arg17[%dma_wait3A_155] : memref<3x!tpu.dma_semaphore, #tpu.memory_space<semaphore_mem>> -> memref<1x!tpu.dma_semaphore, #tpu.memory_space<semaphore_mem>>
    %dma_wait3A_165 = tpu.memref_squeeze %dma_wait3A_164 : memref<1x!tpu.dma_semaphore, #tpu.memory_space<semaphore_mem>> -> memref<!tpu.dma_semaphore, #tpu.memory_space<semaphore_mem>>
    tpu.wait_indirect_dma semaphore(%dma_wait3A_165 : memref<!tpu.dma_semaphore, #tpu.memory_space<semaphore_mem>>) src(%dma_wait3A_163 : memref<1000000x64xf32, #tpu.memory_space<hbm>>) dst(%dma_wait3A_158 : memref<128x64xf32, #tpu.memory_space<vmem>>)
    %dma_wait3A_166 = arith.constant 0 : i32
    %dma_wait3A_167 = arith.constant 128 : i32
    %dma_wait3A_168 = arith.constant 0 : i32
    %dma_wait3A_169 = tpu.memref_slice %arg12[%dma_wait3A_167, %dma_wait3A_168] : memref<512x64xf32, #tpu.memory_space<vmem>> -> memref<128x64xf32, #tpu.memory_space<vmem>>
    %dma_wait3A_170 = arith.constant 128 : i32
    %dma_wait3A_171 = tpu.memref_slice %arg9[%dma_wait3A_170] : memref<512xi32, #tpu.memory_space<vmem>> -> memref<128xi32, #tpu.memory_space<vmem>>
    %dma_wait3A_172 = arith.constant 0 : i32
    %dma_wait3A_173 = arith.constant 0 : i32
    %dma_wait3A_174 = tpu.memref_slice %arg5[%dma_wait3A_172, %dma_wait3A_173] : memref<1000000x64xf32, #tpu.memory_space<hbm>> -> memref<1000000x64xf32, #tpu.memory_space<hbm>>
    %dma_wait3A_175 = tpu.memref_slice %arg17[%dma_wait3A_166] : memref<3x!tpu.dma_semaphore, #tpu.memory_space<semaphore_mem>> -> memref<1x!tpu.dma_semaphore, #tpu.memory_space<semaphore_mem>>
    %dma_wait3A_176 = tpu.memref_squeeze %dma_wait3A_175 : memref<1x!tpu.dma_semaphore, #tpu.memory_space<semaphore_mem>> -> memref<!tpu.dma_semaphore, #tpu.memory_space<semaphore_mem>>
    tpu.wait_indirect_dma semaphore(%dma_wait3A_176 : memref<!tpu.dma_semaphore, #tpu.memory_space<semaphore_mem>>) src(%dma_wait3A_174 : memref<1000000x64xf32, #tpu.memory_space<hbm>>) dst(%dma_wait3A_169 : memref<128x64xf32, #tpu.memory_space<vmem>>)
    %dma_wait3A_177 = arith.constant 1 : i32
    %dma_wait3A_178 = arith.constant 128 : i32
    %dma_wait3A_179 = arith.constant 0 : i32
    %dma_wait3A_180 = tpu.memref_slice %arg13[%dma_wait3A_178, %dma_wait3A_179] : memref<512x64xf32, #tpu.memory_space<vmem>> -> memref<128x64xf32, #tpu.memory_space<vmem>>
    %dma_wait3A_181 = arith.constant 128 : i32
    %dma_wait3A_182 = tpu.memref_slice %arg10[%dma_wait3A_181] : memref<512xi32, #tpu.memory_space<vmem>> -> memref<128xi32, #tpu.memory_space<vmem>>
    %dma_wait3A_183 = arith.constant 0 : i32
    %dma_wait3A_184 = arith.constant 0 : i32
    %dma_wait3A_185 = tpu.memref_slice %arg6[%dma_wait3A_183, %dma_wait3A_184] : memref<1000000x64xf32, #tpu.memory_space<hbm>> -> memref<1000000x64xf32, #tpu.memory_space<hbm>>
    %dma_wait3A_186 = tpu.memref_slice %arg17[%dma_wait3A_177] : memref<3x!tpu.dma_semaphore, #tpu.memory_space<semaphore_mem>> -> memref<1x!tpu.dma_semaphore, #tpu.memory_space<semaphore_mem>>
    %dma_wait3A_187 = tpu.memref_squeeze %dma_wait3A_186 : memref<1x!tpu.dma_semaphore, #tpu.memory_space<semaphore_mem>> -> memref<!tpu.dma_semaphore, #tpu.memory_space<semaphore_mem>>
    tpu.wait_indirect_dma semaphore(%dma_wait3A_187 : memref<!tpu.dma_semaphore, #tpu.memory_space<semaphore_mem>>) src(%dma_wait3A_185 : memref<1000000x64xf32, #tpu.memory_space<hbm>>) dst(%dma_wait3A_180 : memref<128x64xf32, #tpu.memory_space<vmem>>)
    %dma_wait3A_188 = arith.constant 2 : i32
    %dma_wait3A_189 = arith.constant 128 : i32
    %dma_wait3A_190 = arith.constant 0 : i32
    %dma_wait3A_191 = tpu.memref_slice %arg14[%dma_wait3A_189, %dma_wait3A_190] : memref<512x64xf32, #tpu.memory_space<vmem>> -> memref<128x64xf32, #tpu.memory_space<vmem>>
    %dma_wait3A_192 = arith.constant 128 : i32
    %dma_wait3A_193 = tpu.memref_slice %arg11[%dma_wait3A_192] : memref<512xi32, #tpu.memory_space<vmem>> -> memref<128xi32, #tpu.memory_space<vmem>>
    %dma_wait3A_194 = arith.constant 0 : i32
    %dma_wait3A_195 = arith.constant 0 : i32
    %dma_wait3A_196 = tpu.memref_slice %arg6[%dma_wait3A_194, %dma_wait3A_195] : memref<1000000x64xf32, #tpu.memory_space<hbm>> -> memref<1000000x64xf32, #tpu.memory_space<hbm>>
    %dma_wait3A_197 = tpu.memref_slice %arg17[%dma_wait3A_188] : memref<3x!tpu.dma_semaphore, #tpu.memory_space<semaphore_mem>> -> memref<1x!tpu.dma_semaphore, #tpu.memory_space<semaphore_mem>>
    %dma_wait3A_198 = tpu.memref_squeeze %dma_wait3A_197 : memref<1x!tpu.dma_semaphore, #tpu.memory_space<semaphore_mem>> -> memref<!tpu.dma_semaphore, #tpu.memory_space<semaphore_mem>>
    tpu.wait_indirect_dma semaphore(%dma_wait3A_198 : memref<!tpu.dma_semaphore, #tpu.memory_space<semaphore_mem>>) src(%dma_wait3A_196 : memref<1000000x64xf32, #tpu.memory_space<hbm>>) dst(%dma_wait3A_191 : memref<128x64xf32, #tpu.memory_space<vmem>>)
    %dma_wait3A_199 = arith.constant 0 : i32
    %dma_wait3A_200 = arith.constant 256 : i32
    %dma_wait3A_201 = arith.constant 0 : i32
    %dma_wait3A_202 = tpu.memref_slice %arg12[%dma_wait3A_200, %dma_wait3A_201] : memref<512x64xf32, #tpu.memory_space<vmem>> -> memref<128x64xf32, #tpu.memory_space<vmem>>
    %dma_wait3A_203 = arith.constant 256 : i32
    %dma_wait3A_204 = tpu.memref_slice %arg9[%dma_wait3A_203] : memref<512xi32, #tpu.memory_space<vmem>> -> memref<128xi32, #tpu.memory_space<vmem>>
    %dma_wait3A_205 = arith.constant 0 : i32
    %dma_wait3A_206 = arith.constant 0 : i32
    %dma_wait3A_207 = tpu.memref_slice %arg5[%dma_wait3A_205, %dma_wait3A_206] : memref<1000000x64xf32, #tpu.memory_space<hbm>> -> memref<1000000x64xf32, #tpu.memory_space<hbm>>
    %dma_wait3A_208 = tpu.memref_slice %arg17[%dma_wait3A_199] : memref<3x!tpu.dma_semaphore, #tpu.memory_space<semaphore_mem>> -> memref<1x!tpu.dma_semaphore, #tpu.memory_space<semaphore_mem>>
    %dma_wait3A_209 = tpu.memref_squeeze %dma_wait3A_208 : memref<1x!tpu.dma_semaphore, #tpu.memory_space<semaphore_mem>> -> memref<!tpu.dma_semaphore, #tpu.memory_space<semaphore_mem>>
    tpu.wait_indirect_dma semaphore(%dma_wait3A_209 : memref<!tpu.dma_semaphore, #tpu.memory_space<semaphore_mem>>) src(%dma_wait3A_207 : memref<1000000x64xf32, #tpu.memory_space<hbm>>) dst(%dma_wait3A_202 : memref<128x64xf32, #tpu.memory_space<vmem>>)
    %dma_wait3A_210 = arith.constant 1 : i32
    %dma_wait3A_211 = arith.constant 256 : i32
    %dma_wait3A_212 = arith.constant 0 : i32
    %dma_wait3A_213 = tpu.memref_slice %arg13[%dma_wait3A_211, %dma_wait3A_212] : memref<512x64xf32, #tpu.memory_space<vmem>> -> memref<128x64xf32, #tpu.memory_space<vmem>>
    %dma_wait3A_214 = arith.constant 256 : i32
    %dma_wait3A_215 = tpu.memref_slice %arg10[%dma_wait3A_214] : memref<512xi32, #tpu.memory_space<vmem>> -> memref<128xi32, #tpu.memory_space<vmem>>
    %dma_wait3A_216 = arith.constant 0 : i32
    %dma_wait3A_217 = arith.constant 0 : i32
    %dma_wait3A_218 = tpu.memref_slice %arg6[%dma_wait3A_216, %dma_wait3A_217] : memref<1000000x64xf32, #tpu.memory_space<hbm>> -> memref<1000000x64xf32, #tpu.memory_space<hbm>>
    %dma_wait3A_219 = tpu.memref_slice %arg17[%dma_wait3A_210] : memref<3x!tpu.dma_semaphore, #tpu.memory_space<semaphore_mem>> -> memref<1x!tpu.dma_semaphore, #tpu.memory_space<semaphore_mem>>
    %dma_wait3A_220 = tpu.memref_squeeze %dma_wait3A_219 : memref<1x!tpu.dma_semaphore, #tpu.memory_space<semaphore_mem>> -> memref<!tpu.dma_semaphore, #tpu.memory_space<semaphore_mem>>
    tpu.wait_indirect_dma semaphore(%dma_wait3A_220 : memref<!tpu.dma_semaphore, #tpu.memory_space<semaphore_mem>>) src(%dma_wait3A_218 : memref<1000000x64xf32, #tpu.memory_space<hbm>>) dst(%dma_wait3A_213 : memref<128x64xf32, #tpu.memory_space<vmem>>)
    %dma_wait3A_221 = arith.constant 2 : i32
    %dma_wait3A_222 = arith.constant 256 : i32
    %dma_wait3A_223 = arith.constant 0 : i32
    %dma_wait3A_224 = tpu.memref_slice %arg14[%dma_wait3A_222, %dma_wait3A_223] : memref<512x64xf32, #tpu.memory_space<vmem>> -> memref<128x64xf32, #tpu.memory_space<vmem>>
    %dma_wait3A_225 = arith.constant 256 : i32
    %dma_wait3A_226 = tpu.memref_slice %arg11[%dma_wait3A_225] : memref<512xi32, #tpu.memory_space<vmem>> -> memref<128xi32, #tpu.memory_space<vmem>>
    %dma_wait3A_227 = arith.constant 0 : i32
    %dma_wait3A_228 = arith.constant 0 : i32
    %dma_wait3A_229 = tpu.memref_slice %arg6[%dma_wait3A_227, %dma_wait3A_228] : memref<1000000x64xf32, #tpu.memory_space<hbm>> -> memref<1000000x64xf32, #tpu.memory_space<hbm>>
    %dma_wait3A_230 = tpu.memref_slice %arg17[%dma_wait3A_221] : memref<3x!tpu.dma_semaphore, #tpu.memory_space<semaphore_mem>> -> memref<1x!tpu.dma_semaphore, #tpu.memory_space<semaphore_mem>>
    %dma_wait3A_231 = tpu.memref_squeeze %dma_wait3A_230 : memref<1x!tpu.dma_semaphore, #tpu.memory_space<semaphore_mem>> -> memref<!tpu.dma_semaphore, #tpu.memory_space<semaphore_mem>>
    tpu.wait_indirect_dma semaphore(%dma_wait3A_231 : memref<!tpu.dma_semaphore, #tpu.memory_space<semaphore_mem>>) src(%dma_wait3A_229 : memref<1000000x64xf32, #tpu.memory_space<hbm>>) dst(%dma_wait3A_224 : memref<128x64xf32, #tpu.memory_space<vmem>>)
    %dma_wait3A_232 = arith.constant 0 : i32
    %dma_wait3A_233 = arith.constant 384 : i32
    %dma_wait3A_234 = arith.constant 0 : i32
    %dma_wait3A_235 = tpu.memref_slice %arg12[%dma_wait3A_233, %dma_wait3A_234] : memref<512x64xf32, #tpu.memory_space<vmem>> -> memref<128x64xf32, #tpu.memory_space<vmem>>
    %dma_wait3A_236 = arith.constant 384 : i32
    %dma_wait3A_237 = tpu.memref_slice %arg9[%dma_wait3A_236] : memref<512xi32, #tpu.memory_space<vmem>> -> memref<128xi32, #tpu.memory_space<vmem>>
    %dma_wait3A_238 = arith.constant 0 : i32
    %dma_wait3A_239 = arith.constant 0 : i32
    %dma_wait3A_240 = tpu.memref_slice %arg5[%dma_wait3A_238, %dma_wait3A_239] : memref<1000000x64xf32, #tpu.memory_space<hbm>> -> memref<1000000x64xf32, #tpu.memory_space<hbm>>
    %dma_wait3A_241 = tpu.memref_slice %arg17[%dma_wait3A_232] : memref<3x!tpu.dma_semaphore, #tpu.memory_space<semaphore_mem>> -> memref<1x!tpu.dma_semaphore, #tpu.memory_space<semaphore_mem>>
    %dma_wait3A_242 = tpu.memref_squeeze %dma_wait3A_241 : memref<1x!tpu.dma_semaphore, #tpu.memory_space<semaphore_mem>> -> memref<!tpu.dma_semaphore, #tpu.memory_space<semaphore_mem>>
    tpu.wait_indirect_dma semaphore(%dma_wait3A_242 : memref<!tpu.dma_semaphore, #tpu.memory_space<semaphore_mem>>) src(%dma_wait3A_240 : memref<1000000x64xf32, #tpu.memory_space<hbm>>) dst(%dma_wait3A_235 : memref<128x64xf32, #tpu.memory_space<vmem>>)
    %dma_wait3A_243 = arith.constant 1 : i32
    %dma_wait3A_244 = arith.constant 384 : i32
    %dma_wait3A_245 = arith.constant 0 : i32
    %dma_wait3A_246 = tpu.memref_slice %arg13[%dma_wait3A_244, %dma_wait3A_245] : memref<512x64xf32, #tpu.memory_space<vmem>> -> memref<128x64xf32, #tpu.memory_space<vmem>>
    %dma_wait3A_247 = arith.constant 384 : i32
    %dma_wait3A_248 = tpu.memref_slice %arg10[%dma_wait3A_247] : memref<512xi32, #tpu.memory_space<vmem>> -> memref<128xi32, #tpu.memory_space<vmem>>
    %dma_wait3A_249 = arith.constant 0 : i32
    %dma_wait3A_250 = arith.constant 0 : i32
    %dma_wait3A_251 = tpu.memref_slice %arg6[%dma_wait3A_249, %dma_wait3A_250] : memref<1000000x64xf32, #tpu.memory_space<hbm>> -> memref<1000000x64xf32, #tpu.memory_space<hbm>>
    %dma_wait3A_252 = tpu.memref_slice %arg17[%dma_wait3A_243] : memref<3x!tpu.dma_semaphore, #tpu.memory_space<semaphore_mem>> -> memref<1x!tpu.dma_semaphore, #tpu.memory_space<semaphore_mem>>
    %dma_wait3A_253 = tpu.memref_squeeze %dma_wait3A_252 : memref<1x!tpu.dma_semaphore, #tpu.memory_space<semaphore_mem>> -> memref<!tpu.dma_semaphore, #tpu.memory_space<semaphore_mem>>
    tpu.wait_indirect_dma semaphore(%dma_wait3A_253 : memref<!tpu.dma_semaphore, #tpu.memory_space<semaphore_mem>>) src(%dma_wait3A_251 : memref<1000000x64xf32, #tpu.memory_space<hbm>>) dst(%dma_wait3A_246 : memref<128x64xf32, #tpu.memory_space<vmem>>)
    %dma_wait3A_254 = arith.constant 2 : i32
    %dma_wait3A_255 = arith.constant 384 : i32
    %dma_wait3A_256 = arith.constant 0 : i32
    %dma_wait3A_257 = tpu.memref_slice %arg14[%dma_wait3A_255, %dma_wait3A_256] : memref<512x64xf32, #tpu.memory_space<vmem>> -> memref<128x64xf32, #tpu.memory_space<vmem>>
    %dma_wait3A_258 = arith.constant 384 : i32
    %dma_wait3A_259 = tpu.memref_slice %arg11[%dma_wait3A_258] : memref<512xi32, #tpu.memory_space<vmem>> -> memref<128xi32, #tpu.memory_space<vmem>>
    %dma_wait3A_260 = arith.constant 0 : i32
    %dma_wait3A_261 = arith.constant 0 : i32
    %dma_wait3A_262 = tpu.memref_slice %arg6[%dma_wait3A_260, %dma_wait3A_261] : memref<1000000x64xf32, #tpu.memory_space<hbm>> -> memref<1000000x64xf32, #tpu.memory_space<hbm>>
    %dma_wait3A_263 = tpu.memref_slice %arg17[%dma_wait3A_254] : memref<3x!tpu.dma_semaphore, #tpu.memory_space<semaphore_mem>> -> memref<1x!tpu.dma_semaphore, #tpu.memory_space<semaphore_mem>>
    %dma_wait3A_264 = tpu.memref_squeeze %dma_wait3A_263 : memref<1x!tpu.dma_semaphore, #tpu.memory_space<semaphore_mem>> -> memref<!tpu.dma_semaphore, #tpu.memory_space<semaphore_mem>>
    tpu.wait_indirect_dma semaphore(%dma_wait3A_264 : memref<!tpu.dma_semaphore, #tpu.memory_space<semaphore_mem>>) src(%dma_wait3A_262 : memref<1000000x64xf32, #tpu.memory_space<hbm>>) dst(%dma_wait3A_257 : memref<128x64xf32, #tpu.memory_space<vmem>>)
    %broadcast_in_dim3A = arith.constant 0.000000e+00 : f32
    %broadcast_in_dim3A_265 = vector.broadcast %broadcast_in_dim3A : f32 to vector<16xf32>
    %swap3A = arith.constant 0 : index
    %swap3A_266 = tpu.vector_load %arg16[%swap3A] {strides = array<i32>} : memref<16xf32, #tpu.memory_space<vmem>>, vector<16xf32>,
    %swap3A_267 = vector.shape_cast %swap3A_266 : vector<16xf32> to vector<16xf32>
    %swap3A_268 = vector.shape_cast %broadcast_in_dim3A_265 : vector<16xf32> to vector<16xf32>
    tpu.vector_store %arg16[%swap3A], %swap3A_268 {strides = array<i32>} : memref<16xf32, #tpu.memory_space<vmem>>, vector<16xf32>,
    %scan3A = arith.constant 0 : i32
    %scan3A_269 = arith.constant 512 : i32
    %scan3A_270 = arith.addi %scan3A, %scan3A_269 : i32
    %scan3A_271 = arith.constant 1 : i32
    scf.for %scan3A_273 = %scan3A to %scan3A_270 step %scan3A_271  : i32 {
      %mul3A_274 = arith.constant 1 : i32
      %mul3A_275 = arith.muli %scan3A_273, %mul3A_274 : i32
      %add3A_276 = arith.constant 0 : i32
      %add3A_277 = arith.addi %add3A_276, %mul3A_275 : i32
      %get3A = arith.index_cast %add3A_277 : i32 to index
      %get3A_278 = arith.constant 0 : index
      %get3A_279 = tpu.vector_load %arg12[%get3A, %get3A_278] {strides = array<i32>} : memref<512x64xf32, #tpu.memory_space<vmem>>, vector<1x16xf32>,
      %get3A_280 = vector.shape_cast %get3A_279 : vector<1x16xf32> to vector<16xf32>
      %get3A_281 = arith.index_cast %add3A_277 : i32 to index
      %get3A_282 = arith.constant 0 : index
      %get3A_283 = tpu.vector_load %arg13[%get3A_281, %get3A_282] {strides = array<i32>} : memref<512x64xf32, #tpu.memory_space<vmem>>, vector<1x16xf32>,
      %get3A_284 = vector.shape_cast %get3A_283 : vector<1x16xf32> to vector<16xf32>
      %get3A_285 = arith.index_cast %add3A_277 : i32 to index
      %get3A_286 = arith.constant 0 : index
      %get3A_287 = tpu.vector_load %arg14[%get3A_285, %get3A_286] {strides = array<i32>} : memref<512x64xf32, #tpu.memory_space<vmem>>, vector<1x16xf32>,
      %get3A_288 = vector.shape_cast %get3A_287 : vector<1x16xf32> to vector<16xf32>
      %sub3A = arith.subf %get3A_284, %get3A_288 : vector<16xf32>
      %mul3A_289 = arith.mulf %get3A_280, %sub3A : vector<16xf32>
      %mul3A_290 = arith.mulf %get3A_280, %get3A_280 : vector<16xf32>
      %mul3A_291 = arith.mulf %get3A_284, %get3A_284 : vector<16xf32>
      %mul3A_292 = arith.mulf %get3A_288, %get3A_288 : vector<16xf32>
      %add3A_293 = arith.addf %mul3A_291, %mul3A_292 : vector<16xf32>
      %add3A_294 = arith.addf %mul3A_290, %add3A_293 : vector<16xf32>
      %get3A_295 = arith.index_cast %add3A_277 : i32 to index
      %get3A_296 = arith.constant 16 : index
      %get3A_297 = tpu.vector_load %arg12[%get3A_295, %get3A_296] {strides = array<i32>} : memref<512x64xf32, #tpu.memory_space<vmem>>, vector<1x16xf32>,
      %get3A_298 = vector.shape_cast %get3A_297 : vector<1x16xf32> to vector<16xf32>
      %get3A_299 = arith.index_cast %add3A_277 : i32 to index
      %get3A_300 = arith.constant 16 : index
      %get3A_301 = tpu.vector_load %arg13[%get3A_299, %get3A_300] {strides = array<i32>} : memref<512x64xf32, #tpu.memory_space<vmem>>, vector<1x16xf32>,
      %get3A_302 = vector.shape_cast %get3A_301 : vector<1x16xf32> to vector<16xf32>
      %get3A_303 = arith.index_cast %add3A_277 : i32 to index
      %get3A_304 = arith.constant 16 : index
      %get3A_305 = tpu.vector_load %arg14[%get3A_303, %get3A_304] {strides = array<i32>} : memref<512x64xf32, #tpu.memory_space<vmem>>, vector<1x16xf32>,
      %get3A_306 = vector.shape_cast %get3A_305 : vector<1x16xf32> to vector<16xf32>
      %sub3A_307 = arith.subf %get3A_302, %get3A_306 : vector<16xf32>
      %mul3A_308 = arith.mulf %get3A_298, %sub3A_307 : vector<16xf32>
      %mul3A_309 = arith.mulf %get3A_298, %get3A_298 : vector<16xf32>
      %mul3A_310 = arith.mulf %get3A_302, %get3A_302 : vector<16xf32>
      %mul3A_311 = arith.mulf %get3A_306, %get3A_306 : vector<16xf32>
      %add3A_312 = arith.addf %mul3A_310, %mul3A_311 : vector<16xf32>
      %add3A_313 = arith.addf %mul3A_309, %add3A_312 : vector<16xf32>
      %add3A_314 = arith.addf %mul3A_289, %mul3A_308 : vector<16xf32>
      %add3A_315 = arith.addf %add3A_294, %add3A_313 : vector<16xf32>
      %get3A_316 = arith.index_cast %add3A_277 : i32 to index
      %get3A_317 = arith.constant 32 : index
      %get3A_318 = tpu.vector_load %arg12[%get3A_316, %get3A_317] {strides = array<i32>} : memref<512x64xf32, #tpu.memory_space<vmem>>, vector<1x16xf32>,
      %get3A_319 = vector.shape_cast %get3A_318 : vector<1x16xf32> to vector<16xf32>
      %get3A_320 = arith.index_cast %add3A_277 : i32 to index
      %get3A_321 = arith.constant 32 : index
      %get3A_322 = tpu.vector_load %arg13[%get3A_320, %get3A_321] {strides = array<i32>} : memref<512x64xf32, #tpu.memory_space<vmem>>, vector<1x16xf32>,
      %get3A_323 = vector.shape_cast %get3A_322 : vector<1x16xf32> to vector<16xf32>
      %get3A_324 = arith.index_cast %add3A_277 : i32 to index
      %get3A_325 = arith.constant 32 : index
      %get3A_326 = tpu.vector_load %arg14[%get3A_324, %get3A_325] {strides = array<i32>} : memref<512x64xf32, #tpu.memory_space<vmem>>, vector<1x16xf32>,
      %get3A_327 = vector.shape_cast %get3A_326 : vector<1x16xf32> to vector<16xf32>
      %sub3A_328 = arith.subf %get3A_323, %get3A_327 : vector<16xf32>
      %mul3A_329 = arith.mulf %get3A_319, %sub3A_328 : vector<16xf32>
      %mul3A_330 = arith.mulf %get3A_319, %get3A_319 : vector<16xf32>
      %mul3A_331 = arith.mulf %get3A_323, %get3A_323 : vector<16xf32>
      %mul3A_332 = arith.mulf %get3A_327, %get3A_327 : vector<16xf32>
      %add3A_333 = arith.addf %mul3A_331, %mul3A_332 : vector<16xf32>
      %add3A_334 = arith.addf %mul3A_330, %add3A_333 : vector<16xf32>
      %add3A_335 = arith.addf %add3A_314, %mul3A_329 : vector<16xf32>
      %add3A_336 = arith.addf %add3A_315, %add3A_334 : vector<16xf32>
      %get3A_337 = arith.index_cast %add3A_277 : i32 to index
      %get3A_338 = arith.constant 48 : index
      %get3A_339 = tpu.vector_load %arg12[%get3A_337, %get3A_338] {strides = array<i32>} : memref<512x64xf32, #tpu.memory_space<vmem>>, vector<1x16xf32>,
      %get3A_340 = vector.shape_cast %get3A_339 : vector<1x16xf32> to vector<16xf32>
      %get3A_341 = arith.index_cast %add3A_277 : i32 to index
      %get3A_342 = arith.constant 48 : index
      %get3A_343 = tpu.vector_load %arg13[%get3A_341, %get3A_342] {strides = array<i32>} : memref<512x64xf32, #tpu.memory_space<vmem>>, vector<1x16xf32>,
      %get3A_344 = vector.shape_cast %get3A_343 : vector<1x16xf32> to vector<16xf32>
      %get3A_345 = arith.index_cast %add3A_277 : i32 to index
      %get3A_346 = arith.constant 48 : index
      %get3A_347 = tpu.vector_load %arg14[%get3A_345, %get3A_346] {strides = array<i32>} : memref<512x64xf32, #tpu.memory_space<vmem>>, vector<1x16xf32>,
      %get3A_348 = vector.shape_cast %get3A_347 : vector<1x16xf32> to vector<16xf32>
      %sub3A_349 = arith.subf %get3A_344, %get3A_348 : vector<16xf32>
      %mul3A_350 = arith.mulf %get3A_340, %sub3A_349 : vector<16xf32>
      %mul3A_351 = arith.mulf %get3A_340, %get3A_340 : vector<16xf32>
      %mul3A_352 = arith.mulf %get3A_344, %get3A_344 : vector<16xf32>
      %mul3A_353 = arith.mulf %get3A_348, %get3A_348 : vector<16xf32>
      %add3A_354 = arith.addf %mul3A_352, %mul3A_353 : vector<16xf32>
      %add3A_355 = arith.addf %mul3A_351, %add3A_354 : vector<16xf32>
      %add3A_356 = arith.addf %add3A_335, %mul3A_350 : vector<16xf32>
      %add3A_357 = arith.addf %add3A_336, %add3A_355 : vector<16xf32>
      %swap3A_358 = arith.index_cast %add3A_277 : i32 to index
      %swap3A_359 = arith.constant 0 : index
      %swap3A_360 = tpu.vector_load %arg15[%swap3A_358, %swap3A_359] {strides = array<i32>} : memref<512x16xf32, #tpu.memory_space<vmem>>, vector<1x16xf32>,
      %swap3A_361 = vector.shape_cast %swap3A_360 : vector<1x16xf32> to vector<16xf32>
      %swap3A_362 = vector.shape_cast %add3A_356 : vector<16xf32> to vector<1x16xf32>
      tpu.vector_store %arg15[%swap3A_358, %swap3A_359], %swap3A_362 {strides = array<i32>} : memref<512x16xf32, #tpu.memory_space<vmem>>, vector<1x16xf32>,
      %get3A_363 = arith.constant 0 : index
      %get3A_364 = tpu.vector_load %arg16[%get3A_363] {strides = array<i32>} : memref<16xf32, #tpu.memory_space<vmem>>, vector<16xf32>,
      %get3A_365 = vector.shape_cast %get3A_364 : vector<16xf32> to vector<16xf32>
      %add3A_366 = arith.addf %get3A_365, %add3A_357 : vector<16xf32>
      %swap3A_367 = arith.constant 0 : index
      %swap3A_368 = tpu.vector_load %arg16[%swap3A_367] {strides = array<i32>} : memref<16xf32, #tpu.memory_space<vmem>>, vector<16xf32>,
      %swap3A_369 = vector.shape_cast %swap3A_368 : vector<16xf32> to vector<16xf32>
      %swap3A_370 = vector.shape_cast %add3A_366 : vector<16xf32> to vector<16xf32>
      tpu.vector_store %arg16[%swap3A_367], %swap3A_370 {strides = array<i32>} : memref<16xf32, #tpu.memory_space<vmem>>, vector<16xf32>,
    }
    %scan3A_272 = arith.constant 512 : i32
    "tpu.region"() ({
      %run_scoped3A = tpu.sem_alloc : memref<!tpu.dma_semaphore, #tpu.memory_space<semaphore_mem>>
      %dma_start3A_273 = arith.constant 0 : i32
      %dma_start3A_274 = tpu.memref_slice %arg7[%mul3A_2, %dma_start3A_273] : memref<16384x16xf32, #tpu.memory_space<hbm>> -> memref<512x16xf32, #tpu.memory_space<hbm>>
      %dma_start3A_275 = arith.constant 0 : i32
      %dma_start3A_276 = tpu.memref_slice %arg7[%mul3A_2, %dma_start3A_275] : memref<16384x16xf32, #tpu.memory_space<hbm>> -> memref<512x16xf32, #tpu.memory_space<hbm>>
      tpu.enqueue_dma source(%arg15 : memref<512x16xf32, #tpu.memory_space<vmem>>) target(%dma_start3A_276 : memref<512x16xf32, #tpu.memory_space<hbm>>) target_semaphore(%run_scoped3A : memref<!tpu.dma_semaphore, #tpu.memory_space<semaphore_mem>>)
      %dma_wait3A_277 = arith.constant 0 : i32
      %dma_wait3A_278 = tpu.memref_slice %arg7[%mul3A_2, %dma_wait3A_277] : memref<16384x16xf32, #tpu.memory_space<hbm>> -> memref<512x16xf32, #tpu.memory_space<hbm>>
      %dma_wait3A_279 = arith.constant 0 : i32
      %dma_wait3A_280 = tpu.memref_slice %arg7[%mul3A_2, %dma_wait3A_279] : memref<16384x16xf32, #tpu.memory_space<hbm>> -> memref<512x16xf32, #tpu.memory_space<hbm>>
      tpu.wait_dma2 semaphore(%run_scoped3A : memref<!tpu.dma_semaphore, #tpu.memory_space<semaphore_mem>>) src(%arg15 : memref<512x16xf32, #tpu.memory_space<vmem>>) dst(%dma_wait3A_280 : memref<512x16xf32, #tpu.memory_space<hbm>>)
      tpu.yield
    }) : () -> ()
    "tpu.region"() ({
      %run_scoped3A = tpu.sem_alloc : memref<!tpu.dma_semaphore, #tpu.memory_space<semaphore_mem>>
      %dma_start3A_273 = arith.constant 0 : i32
      %dma_start3A_274 = tpu.memref_slice %arg8[%add3A, %dma_start3A_273] : memref<32x16xf32, #tpu.memory_space<hbm>> -> memref<1x16xf32, #tpu.memory_space<hbm>>
      %dma_start3A_275 = tpu.memref_squeeze %dma_start3A_274 : memref<1x16xf32, #tpu.memory_space<hbm>> -> memref<16xf32, #tpu.memory_space<hbm>>
      %dma_start3A_276 = arith.constant 0 : i32
      %dma_start3A_277 = tpu.memref_slice %arg8[%add3A, %dma_start3A_276] : memref<32x16xf32, #tpu.memory_space<hbm>> -> memref<1x16xf32, #tpu.memory_space<hbm>>
      %dma_start3A_278 = tpu.memref_squeeze %dma_start3A_277 : memref<1x16xf32, #tpu.memory_space<hbm>> -> memref<16xf32, #tpu.memory_space<hbm>>
      tpu.enqueue_dma source(%arg16 : memref<16xf32, #tpu.memory_space<vmem>>) target(%dma_start3A_278 : memref<16xf32, #tpu.memory_space<hbm>>) target_semaphore(%run_scoped3A : memref<!tpu.dma_semaphore, #tpu.memory_space<semaphore_mem>>)
      %dma_wait3A_279 = arith.constant 0 : i32
      %dma_wait3A_280 = tpu.memref_slice %arg8[%add3A, %dma_wait3A_279] : memref<32x16xf32, #tpu.memory_space<hbm>> -> memref<1x16xf32, #tpu.memory_space<hbm>>
      %dma_wait3A_281 = tpu.memref_squeeze %dma_wait3A_280 : memref<1x16xf32, #tpu.memory_space<hbm>> -> memref<16xf32, #tpu.memory_space<hbm>>
      %dma_wait3A_282 = arith.constant 0 : i32
      %dma_wait3A_283 = tpu.memref_slice %arg8[%add3A, %dma_wait3A_282] : memref<32x16xf32, #tpu.memory_space<hbm>> -> memref<1x16xf32, #tpu.memory_space<hbm>>
      %dma_wait3A_284 = tpu.memref_squeeze %dma_wait3A_283 : memref<1x16xf32, #tpu.memory_space<hbm>> -> memref<16xf32, #tpu.memory_space<hbm>>
      tpu.wait_dma2 semaphore(%run_scoped3A : memref<!tpu.dma_semaphore, #tpu.memory_space<semaphore_mem>>) src(%arg16 : memref<16xf32, #tpu.memory_space<vmem>>) dst(%dma_wait3A_284 : memref<16xf32, #tpu.memory_space<hbm>>)
      tpu.yield
    }) : () -> ()
    return
  }
}

module attributes {stable_mosaic.version = 14 : i64} {
  func.func @_finish_body(%arg0: memref<16384x16xf32, #tpu.memory_space<vmem>>, %arg1: memref<32x16xf32, #tpu.memory_space<vmem>>, %arg2: memref<1x1xf32, #tpu.memory_space<smem>>, %arg3: memref<1x1xf32, #tpu.memory_space<smem>>) attributes {dimension_semantics = [], scalar_prefetch = 0 : i64, scratch_operands = 0 : i64, tpu.core_type = #tpu.core_type<tc>} {
    %get3A = arith.constant 0 : index
    %get3A_0 = arith.constant 0 : index
    %get3A_1 = vector.load %arg0[%get3A, %get3A_0] : memref<16384x16xf32, #tpu.memory_space<vmem>>, vector<16384x16xf32>
    %reduce_sum3A = arith.constant dense<0.000000e+00> : vector<16384xf32>
    %reduce_sum3A_2 = vector.multi_reduction <add>, %get3A_1, %reduce_sum3A [1] : vector<16384x16xf32> to vector<16384xf32>
    %neg3A = arith.constant 0.000000e+00 : f32
    %neg3A_3 = vector.broadcast %neg3A : f32 to vector<16384xf32>
    %neg3A_4 = arith.subf %neg3A_3, %reduce_sum3A_2 : vector<16384xf32>
    %max3A = arith.constant 0.000000e+00 : f32
    %max3A_5 = vector.broadcast %max3A : f32 to vector<16384xf32>
    %max3A_6 = arith.maximumf %neg3A_4, %max3A_5 : vector<16384xf32>
    %abs3A = math.absf %reduce_sum3A_2 : vector<16384xf32>
    %neg3A_7 = arith.constant 0.000000e+00 : f32
    %neg3A_8 = vector.broadcast %neg3A_7 : f32 to vector<16384xf32>
    %neg3A_9 = arith.subf %neg3A_8, %abs3A : vector<16384xf32>
    %exp3A = math.exp %neg3A_9 : vector<16384xf32>
    %log1p3A = math.log1p %exp3A : vector<16384xf32>
    %add3A = arith.addf %max3A_6, %log1p3A : vector<16384xf32>
    %reduce_sum3A_10 = vector.shape_cast %add3A : vector<16384xf32> to vector<1x16384xf32>
    %reduce_sum3A_11 = arith.constant dense<0.000000e+00> : vector<1xf32>
    %reduce_sum3A_12 = vector.multi_reduction <add>, %reduce_sum3A_10, %reduce_sum3A_11 [1] : vector<1x16384xf32> to vector<1xf32>
    %reduce_sum3A_13 = vector.shape_cast %reduce_sum3A_12 : vector<1xf32> to vector<1x1xf32>
    %reduce_sum3A_14 = vector.extract %reduce_sum3A_13[0, 0] : f32 from vector<1x1xf32>
    %mul3A = arith.constant 6.10351563E-5 : f32
    %mul3A_15 = arith.mulf %reduce_sum3A_14, %mul3A : f32
    %swap3A = arith.constant 0 : index
    %swap3A_16 = arith.constant 0 : index
    %swap3A_17 = memref.load %arg2[%swap3A, %swap3A_16] : memref<1x1xf32, #tpu.memory_space<smem>>
    memref.store %mul3A_15, %arg2[%swap3A, %swap3A_16] : memref<1x1xf32, #tpu.memory_space<smem>>
    %get3A_18 = arith.constant 0 : index
    %get3A_19 = arith.constant 0 : index
    %get3A_20 = vector.load %arg1[%get3A_18, %get3A_19] : memref<32x16xf32, #tpu.memory_space<vmem>>, vector<32x16xf32>
    %reduce_sum3A_21 = vector.shape_cast %get3A_20 : vector<32x16xf32> to vector<1x32x16xf32>
    %reduce_sum3A_22 = arith.constant dense<0.000000e+00> : vector<1xf32>
    %reduce_sum3A_23 = vector.multi_reduction <add>, %reduce_sum3A_21, %reduce_sum3A_22 [1, 2] : vector<1x32x16xf32> to vector<1xf32>
    %reduce_sum3A_24 = vector.shape_cast %reduce_sum3A_23 : vector<1xf32> to vector<1x1x1xf32>
    %reduce_sum3A_25 = vector.extract %reduce_sum3A_24[0, 0, 0] : f32 from vector<1x1x1xf32>
    %mul3A_26 = arith.constant 5.000000e-05 : f32
    %mul3A_27 = arith.mulf %mul3A_26, %reduce_sum3A_25 : f32
    %swap3A_28 = arith.constant 0 : index
    %swap3A_29 = arith.constant 0 : index
    %swap3A_30 = memref.load %arg3[%swap3A_28, %swap3A_29] : memref<1x1xf32, #tpu.memory_space<smem>>
    memref.store %mul3A_27, %arg3[%swap3A_28, %swap3A_29] : memref<1x1xf32, #tpu.memory_space<smem>>
    return
  }
}

</mosaic_0001>

<sc_bundles>
// kernel: kernel.4.cloned.1.call-start
scs
__scs_entry_jumppad:
0x0: {  	(pc) =	sbr.rel $0x88, $3  }
0x1: {  	(tag) =	ssettag $0x0;
	lr =	simm.s32 $0x1  }
0x2: {  	[smem:$0x3F9C] =	sst lr;
	_ =	strace $0xD0000000  }
0x3: {  	_ = 	snop  }
0x4: {  	_ = 	snop  }
0x5: {  	_ = 	snop  }
0x6: {  	_ = 	snop  }
0x7: {  	_ = 	snop  }
__scs_overlays_trampoline_lowered:
0x8: {  	[smem:$0x3FAB] =	sst s0  }
0x9: {  	[smem:$0x3FAC] =	sst s1  }
0xa: {  	[smem:$0x3FAD] =	sst s2  }
0xb: {  	[smem:$0x3FAE] =	sst s3  }
0xc: {  	[smem:$0x3FAF] =	sst s4  }
0xd: {  	[smem:$0x3FB0] =	sst s5  }
0xe: {  	[smem:$0x3FB1] =	sst s6  }
0xf: {  	[smem:$0x3FB2] =	sst s7  }
0x10: {  	[smem:$0x3FB3] =	sst s8  }
0x11: {  	[smem:$0x3FB4] =	sst s9;
	s0 =	simm.s32 @!p0 $0x0  }
0x12: {  	s1 =	sld [smem:$0x3F9A];
	s0 =	simm.s32 @p0 $0x1  }
0x13: {  	[smem:$0x3FB5] =	sst s0;
	s0 =	simm.s32 @!p1 $0x0  }
0x14: {  	s2 =	sld [smem:$0x3F99];
	s0 =	simm.s32 @p1 $0x1  }
0x15: {  	[smem:$0x3FB6] =	sst s0;
	s0 =	simm.s32 @!p2 $0x0  }
0x16: {  	s3 =	sld [smem:$0x3FDB];
	s0 =	simm.s32 @p2 $0x1  }
0x17: {  	s4 =	simm.s32 $0x1BF5;
	[smem:$0x3FB8] =	sst s0  }
0x18: {  	s0 =	sld [smem:$0x3F9B];
	_ =	swait.ge [sflag:s4], $0x0  }
0x19: {  	s7 =	sld [smem:$0x3F9C]  }
0x1a: {  	s8 =	sadd.s32 $0xFFFFE003, lr  }
0x1b: {  	s9 =	sadd.s32 $0xFFFFFEF7, lr;
	s5 =	simm.s32 $0xFFFFFFFF;
	p2 =	slt.u32 s8, $0xFFFFF086  }
0x1c: {  	p1 =	slt.u32 s9, $0xF7A;
	s5 =	simm.s32 @!p2 $0x0  }
0x1d: {  	s5 =	simm.s32 @p1 $0x1;
	p0 =	seq.s32 s7, s2  }
0x1e: {  	s7 =	smul.u32 @!p0 $0xF7A, s2;
	p2 =	seq.s32 @!p0 s5, $0x0  }
0x1f: {  	s9 =	smul.u32 $0xF7A, s1;
	s8 =	simm.s32 @!p0 $0x1BF5;
	p2 =	por !p2, p0  }
0x20: {  	[sflag:s8] =	ssyncset.s32 @!p0 $0xFFFFF086;
	s6 =	sadd.s32 @!p0 s3, s7;
	s7 =	simm.s32 @!p0 $0x108  }
0x21: {  	s3 =	sadd.s32 s3, s9;
	s6 =	sadd.s32 @!p0 $0x88, s6;
	s7 =	simm.s32 @p2 $0x1082  }
0x22: {  	[simem:s7], [sflag:s8] =	dma.local @!p0 [hbm:s6], $0xF7A  }
0x23: {  	s9 =	sor.u32 $0xD0000000, s2;
	s6 =	simm.s32 $0x108;
	_ =	swait.ge @!p0 [sflag:s8], $0x0  }
0x24: {  	s3 =	sadd.s32 $0x88, s3;
	s6 =	simm.s32 @!p1 $0x1082;
	[sflag:s4] =	ssyncset.s32 $0xFFFFF086  }
0x25: {  	[simem:s6], [sflag:s4] =	dma.local [hbm:s3], $0xF7A  }
0x26: {  	[smem:$0x3F9C] =	sst s1;
	(tag) =	ssettag s2;
	_ =	strace s9  }
0x27: {  	s1 =	sld [smem:$0x3FAC]  }
0x28: {  	s2 =	sld [smem:$0x3FAD]  }
0x29: {  	s4 =	sld [smem:$0x3FAF]  }
0x2a: {  	p0 =	seq.s32 s5, $0x0;
	s5 =	sld [smem:$0x3FB0]  }
0x2b: {  	s6 =	sld [smem:$0x3FB1]  }
0x2c: {  	s7 =	sld [smem:$0x3FB2]  }
0x2d: {  	s3 =	simm.s32 $0x108;
	s8 =	sld [smem:$0x3FB3]  }
0x2e: {  	s3 =	simm.s32 @!p0 $0x1082;
	s9 =	sld [smem:$0x3FB4]  }
0x2f: {  	lr =	sadd.s32 s0, s3;
	s0 =	sld [smem:$0x3FAB]  }
0x30: {  	s3 =	sld [smem:$0x3FAE]  }
0x31: {  	[smem:$0x3FB7] =	sst s10  }
0x32: {  	s10 =	sld [smem:$0x3FB5];
	_ =	sdelay $0x3  }
0x33: {  	p0 =	seq.s32 s10, $0x1;
	s10 =	sld [smem:$0x3FB7];
	_ =	sdelay $0x3  }
0x34: {  	[smem:$0x3FB7] =	sst s10  }
0x35: {  	s10 =	sld [smem:$0x3FB6];
	_ =	sdelay $0x3  }
0x36: {  	p1 =	seq.s32 s10, $0x1;
	s10 =	sld [smem:$0x3FB7];
	_ =	sdelay $0x3  }
0x37: {  	[smem:$0x3FB7] =	sst s10  }
0x38: {  	s10 =	sld [smem:$0x3FB8]  }
0x39: {  	_ = 	snop;
	(pc) =	sbr.ind lr, $3  }
0x3a: {  	_ = 	snop  }
0x3b: {  	_ = 	snop  }
0x3c: {  	p2 =	seq.s32 s10, $0x1;
	s10 =	sld [smem:$0x3FB7]  }
0x3d: {  	_ =	shalt  }
0x3e: {  	_ =	shalt  }
0x3f: {  	_ =	shalt  }
0x40: {  	_ =	shalt  }
0x41: {  	_ =	shalt  }
0x42: {  	_ =	shalt  }
0x43: {  	_ =	shalt  }
0x44: {  	_ =	shalt  }
0x45: {  	_ =	shalt  }
0x46: {  	_ =	shalt  }
0x47: {  	_ =	shalt  }
0x48: {  	_ =	shalt  }
0x49: {  	_ =	shalt  }
0x4a: {  	_ =	shalt  }
0x4b: {  	_ =	shalt  }
0x4c: {  	_ =	shalt  }
0x4d: {  	_ =	shalt  }
0x4e: {  	_ =	shalt  }
0x4f: {  	_ =	shalt  }
0x50: {  	_ =	shalt  }
0x51: {  	_ =	shalt  }
0x52: {  	_ =	shalt  }
0x53: {  	_ =	shalt  }
0x54: {  	_ =	shalt  }
0x55: {  	_ =	shalt  }
0x56: {  	_ =	shalt  }
0x57: {  	_ =	shalt  }
0x58: {  	_ =	shalt  }
0x59: {  	_ =	shalt  }
0x5a: {  	_ =	shalt  }
0x5b: {  	_ =	shalt  }
0x5c: {  	_ =	shalt  }
0x5d: {  	_ =	shalt  }
0x5e: {  	_ =	shalt  }
0x5f: {  	_ =	shalt  }
0x60: {  	_ =	shalt  }
0x61: {  	_ =	shalt  }
0x62: {  	_ =	shalt  }
0x63: {  	_ =	shalt  }
0x64: {  	_ =	shalt  }
0x65: {  	_ =	shalt  }
0x66: {  	_ =	shalt  }
0x67: {  	_ =	shalt  }
0x68: {  	_ =	shalt  }
0x69: {  	_ =	shalt  }
0x6a: {  	_ =	shalt  }
0x6b: {  	_ =	shalt  }
0x6c: {  	_ =	shalt  }
0x6d: {  	_ =	shalt  }
0x6e: {  	_ =	shalt  }
0x6f: {  	_ =	shalt  }
0x70: {  	_ =	shalt  }
0x71: {  	_ =	shalt  }
0x72: {  	_ =	shalt  }
0x73: {  	_ =	shalt  }
0x74: {  	_ =	shalt  }
0x75: {  	_ =	shalt  }
0x76: {  	_ =	shalt  }
0x77: {  	_ =	shalt  }
0x78: {  	_ =	shalt  }
0x79: {  	_ =	shalt  }
0x7a: {  	_ =	shalt  }
0x7b: {  	_ =	shalt  }
0x7c: {  	_ =	shalt  }
0x7d: {  	_ =	shalt  }
0x7e: {  	_ =	shalt  }
0x7f: {  	_ =	shalt  }
0x80: {  	_ =	shalt  }
0x81: {  	_ =	shalt  }
0x82: {  	_ =	shalt  }
0x83: {  	_ =	shalt  }
0x84: {  	_ =	shalt  }
0x85: {  	_ =	shalt  }
0x86: {  	_ =	shalt  }
0x87: {  	_ =	shalt  }
.Lfunc_end0:
.L_simem_size_0:
called_computation_lowered:
.L_overlay_start_0:
0x88: {  	s2 =	sld [smem:$0x3FD9]  }
0x89: {  	s3 =	sld [smem:$0x3FFE];
	_ =	sdelay $0x1  }
0x8a: {  	s1 =	srdreg.scid  }
0x8b: {  	s0 =	sand.u32 $0x1, s1  }
0x8c: {  	s17 =	sshll.u32 s0, $0xA;
	s2 =	sadd.s32 s3, s2  }
0x8d: {  	s2 =	sadd.s32 s2, s17  }
0x8e: {  	[smem:$0x3FC3] =	sst s2  }
0x8f: {  	_ = 	snop  }
0x90: {  	s2 =	sld [smem:$0x3FC9]  }
0x91: {  	s18 =	sld [smem:$0x3FC8]  }
0x92: {  	s4 =	sld [smem:$0x3FC7];
	(tm) =	ssettm $0x1  }
0x93: {  	s5 =	sld [smem:$0x3FFB];
	_ =	sdelay $0x3  }
0x94: {  	_ =	strace s5  }
0x95: {  	s5 =	sld [smem:$0x3FFC];
	_ =	sdelay $0x3  }
0x96: {  	_ =	strace s5  }
0x97: {  	s5 =	sld [smem:$0x3FFD];
	_ =	sdelay $0x3  }
0x98: {  	_ =	strace s5  }
0x99: {  	_ =	strace $0x8FFFFFFF  }
0x9a: {  	s19 =	sld [smem:$0x3FDB];
	_ =	sdelay $0x1  }
0x9b: {  	s6 =	simm.s32 $_scs_section_size  }
0x9c: {  	s7 =	simm.s32 $_size__tile_overlayer_lowered;
	s8 =	simm.s32 $_tile_overlayer_lowered  }
0x9d: {  	s22 =	simm.s32 $0x1BFF;
	s21 =	sshll.u32 s8, $0x1;
	s5 =	sadd.s32 s6, s19  }
0x9e: {  	s9 =	simm.s32 $0x0;
	s20 =	sshll.u32 s7, $0x1;
	s7 =	sadd.s32 s21, s5  }
0x9f: {  	[timem:s9], [sflag:s22] =	dma.local [hbm:s7], s20  }
0xa0: {  	_ =	swait.ge [sflag:s22], s20  }
0xa1: {  	s6 =	ssub.s32 $0x0, s20;
	[sflag:s22] =	ssyncset.done $0x0  }
0xa2: {  	[sflag:s22] =	ssyncadd.s32 s6;
	_ =	sdelay $0x1  }
0xa3: {  	s23 =	simm.s32 $0x1B8B  }
0xa4: {  	_ =	swait.ge [sflag:s23], $0x1  }
0xa5: {  	[sflag:s23] =	ssyncset.done $0x0  }
0xa6: {  	s25 =	simm.s32 $0x1B8E;
	s24 =	sld [smem:$0x3FFE];
	[sflag:s23] =	ssyncadd.s32 $0xFFFFFFFF  }
0xa7: {  	s26 =	simm.s32 $execute0_lowered;
	[smem:$0x3FD2] =	sst s25  }
0xa8: {  	s7 =	sshll.u32 s26, $0x1;
	_ =	strace $0x80000046;
	[dreg:$0x1] =	wrdreg $0xFFFFFFFF  }
0xa9: {  	s28 =	simm.s32 $_size_execute0_lowered;
	s5 =	sadd.s32 s5, s7;
	[dreg:$0x0] =	wrdreg $0x0  }
0xaa: {  	s7 =	sshll.u32 s28, $0x1;
	[dreg:$0x2] =	wrdreg s5  }
0xab: {  	[dreg:$0x3] =	wrdreg s7  }
0xac: {  	[dreg:$0x4] =	wrdreg $0xC0  }
0xad: {  	_ =	task [dreg:s9], $0x5FFFF  }
0xae: {  	[dreg:$0x1] =	wrdreg $0xFFFFFFFF  }
0xaf: {  	[dreg:$0x0] =	wrdreg $0x60  }
0xb0: {  	[dreg:$0x2] =	wrdreg s2  }
0xb1: {  	[dreg:$0x3] =	wrdreg s18  }
0xb2: {  	[dreg:$0x4] =	wrdreg s4  }
0xb3: {  	[dreg:$0x5] =	wrdreg s24  }
0xb4: {  	[dreg:$0x6] =	wrdreg $0x9  }
0xb5: {  	_ =	task.clear_ibuf [dreg:s9], $0x7FFFF;
	_ =	strace $0x90000046  }
0xb6: {  	s29 =	simm.s32 $0x9;
	_ =	strace $0x80000048  }
0xb7: {  	_ =	swait.ge [sflag:s29], $0x1  }
0xb8: {  	[sflag:s29] =	ssyncadd.s32 $0xFFFFFFFF  }
0xb9: {  	_ =	strace $0x90000048  }
0xba: {  	_ =	sfence  }
0xbb: {  	s30 =	sld [smem:$0x0];
	_ =	sdelay $0x2  }
0xbc: {  	s31 =	sshll.u32 s1, $0xD;
	s1 =	sshrl.u32 s1, $0x2  }
0xbd: {  	s3 =	sand.u32 $0x4000, s31;
	s1 =	sadd.s32 s1, s30  }
0xbe: {  	s0 =	sor.u32 s3, s0;
	s1 =	sshll.u32 s1, $0x11  }
0xbf: {  	s0 =	sor.u32 s1, s0  }
0xc0: {  	s0 =	sadd.s32 $0x8F2B, s0  }
0xc1: {  	[sflag:s0] =	ssyncadd.remote.s32 $0x1  }
0xc2: {  	_ =	sfence.sel $0xFFFF  }
0xc3: {  	[dreg:$0x0] =	wrdreg $0xFFFFFFFF;
	(pc) =	sbr.abs _section_cstart, $3  }
0xc4: {  	[dreg:$0x1] =	wrdreg $0xFFFFFFFF  }
0xc5: {  	_ =	task.clear_ibuf [dreg:s9], $0x2FFFF;
	_ =	strace $0x9FFFFFFF  }
0xc6: {  	(tm) =	ssettm $0x7FFFFFFF  }
0xc7: {  	_ =	shalt  }
tec
execute0_lowered:
.L_overlay_start_1:
0x0: {  	(tag) =	ssettag $0x1  }
0x1: {  	s0 =	rddreg [dreg:$0x0]  }
0x2: {  	s1 =	rddreg [dreg:$0x1]  }
0x3: {  	s7 =	rddreg [dreg:$0x2]  }
0x4: {  	s5 =	rddreg [dreg:$0x3]  }
0x5: {  	s2 =	simm.s32 $0x0;
	s3 =	srdreg.scid;
	s4 =	stileid.u32  }
0x6: {  	s12 =	simm.s32 $0x200;
	s13 =	simm.s32 $0x400;
	s14 =	simm.s32 $0x80  }
0x7: {  	s31 =	simm.s32 $0x6600;
	s15 =	simm.s32 $0x580;
	s16 =	simm.s32 $0x16600  }
0x8: {  	s17 =	simm.s32 $0x1;
	s18 =	simm.s32 $0x2;
	s19 =	simm.s32 $0x3  }
0x9: {  	s20 =	simm.s32 $0x18600;
	s21 =	simm.s32 $0x1A600;
	s22 =	simm.s32 $0x0  }
0xa: {  	[smem:$0x7FF] =	sst s2;
	s6 =	sand.u32 $0x1, s3;
	s4 =	sshll.u32 s4, $0x1  }
0xb: {  	s3 =	sadd.s32 $0xF42E00, s5;
	_ =	strace $0x80000047;
	s8 =	sor.u32 s6, s4  }
0xc: {  	s4 =	sadd.s32 $0x16E4000, s5;
	s6 =	ssub.s32 $0x2, s6;
	s9 =	sshll.u32 s8, $0xA  }
0xd: {  	s10 =	sshll.u32 s8, $0x1;
	s11 =	sshrl.u32 s6, $0x1;
	s8 =	sshll.u32 s8, $0x6  }
0xe: {  	s9 =	sadd.s32 s9, s5;
	s10 =	sadd.s32 s10, s5;
	s11 =	ssub.s32 s6, s11  }
0xf: {  	s5 =	sadd.s32 s0, s8;
	s6 =	sadd.s32 s1, s8;
	s7 =	sadd.s32 s7, s8  }
0x10: {  	s0 =	simm.s32 $0x380;
	s1 =	simm.s32 $0xE600;
	s8 =	sadd.s32 $0xC00, s9  }
0x11: {  	v0 =	vimm.f32 $0.0e+00;
	s9 =	sadd.s32 $0xA00, s10;
	s10 =	smax.u32 s11, $0x1;
	s11 =	simm.s32 $0x4  }
.LBB2_1:
0x12: {  	[tilespmem:s2], [sflag:$0x4] =	stream.linear.gather [hbm4b:s5+s2], $0x200, $0x38;
	[tilespmem:$0x1A610] =	vst v63  }
0x13: {  	_ =	swait.ge [sflag:s11], $0x200  }
0x14: {  	[sflag:s11] =	ssyncset.done $0x0  }
0x15: {  	[sflag:s11] =	ssyncadd.s32 $0xFFFFFE00  }
0x16: {  	[tilespmem:s12], [sflag:$0x4] =	stream.linear.gather [hbm4b:s6+s2], $0x200, $0x38;
	[tilespmem:$0x1A610] =	vst v63  }
0x17: {  	_ =	swait.ge [sflag:s11], $0x200  }
0x18: {  	[sflag:s11] =	ssyncset.done $0x0  }
0x19: {  	[sflag:s11] =	ssyncadd.s32 $0xFFFFFE00  }
0x1a: {  	[tilespmem:s13], [sflag:$0x4] =	stream.linear.gather [hbm4b:s7+s2], $0x200, $0x38;
	[tilespmem:$0x1A610] =	vst v63  }
0x1b: {  	_ =	swait.ge [sflag:s11], $0x200  }
0x1c: {  	[sflag:s11] =	ssyncset.done $0x0  }
0x1d: {  	s23 =	simm.s32 $0x600;
	[sflag:s11] =	ssyncadd.s32 $0xFFFFFE00  }
0x1e: {  	[tilespmem:s23], [sflag:$0x1] =	stream.indirect.gather [hbm4b:s3+s14], $0x40, s2, s14, $0xb8;
	[tilespmem:$0x1A610] =	vst v63  }
0x1f: {  	s26 =	simm.s32 $0x8600  }
0x20: {  	[tilespmem:s26], [sflag:$0x2] =	stream.indirect.gather [hbm4b:s4+s14], $0x40, s12, s14, $0xb8;
	[tilespmem:$0x1A610] =	vst v63  }
0x21: {  	s30 =	simm.s32 $0x10600  }
0x22: {  	[tilespmem:s30], [sflag:$0x3] =	stream.indirect.gather [hbm4b:s4+s14], $0x40, s13, s14, $0xb8;
	[tilespmem:$0x1A610] =	vst v63  }
0x23: {  	s24 =	simm.s32 $0x2600  }
0x24: {  	[tilespmem:s24], [sflag:$0x1] =	stream.indirect.gather [hbm4b:s3+s14], $0x40, s14, s14, $0xb8;
	[tilespmem:$0x1A610] =	vst v63  }
0x25: {  	s25 =	simm.s32 $0x280;
	s24 =	simm.s32 $0xA600  }
0x26: {  	[tilespmem:s24], [sflag:$0x2] =	stream.indirect.gather [hbm4b:s4+s14], $0x40, s25, s14, $0xb8;
	[tilespmem:$0x1A610] =	vst v63  }
0x27: {  	s26 =	simm.s32 $0x480;
	s30 =	simm.s32 $0x12600  }
0x28: {  	[tilespmem:s30], [sflag:$0x3] =	stream.indirect.gather [hbm4b:s4+s14], $0x40, s26, s14, $0xb8;
	[tilespmem:$0x1A610] =	vst v63  }
0x29: {  	s24 =	simm.s32 $0x100;
	s25 =	simm.s32 $0x4600  }
0x2a: {  	[tilespmem:s25], [sflag:$0x1] =	stream.indirect.gather [hbm4b:s3+s14], $0x40, s24, s14, $0xb8;
	[tilespmem:$0x1A610] =	vst v63  }
0x2b: {  	s26 =	simm.s32 $0x300;
	s30 =	simm.s32 $0xC600  }
0x2c: {  	[tilespmem:s30], [sflag:$0x2] =	stream.indirect.gather [hbm4b:s4+s14], $0x40, s26, s14, $0xb8;
	[tilespmem:$0x1A610] =	vst v63  }
0x2d: {  	s24 =	simm.s32 $0x500;
	s25 =	simm.s32 $0x14600  }
0x2e: {  	[tilespmem:s25], [sflag:$0x3] =	stream.indirect.gather [hbm4b:s4+s14], $0x40, s24, s14, $0xb8;
	[tilespmem:$0x1A610] =	vst v63  }
0x2f: {  	s26 =	simm.s32 $0x180  }
0x30: {  	[tilespmem:s31], [sflag:$0x1] =	stream.indirect.gather [hbm4b:s3+s14], $0x40, s26, s14, $0xb8;
	[tilespmem:$0x1A610] =	vst v63  }
0x31: {  	_ = 	snop  }
0x32: {  	[tilespmem:s1], [sflag:$0x2] =	stream.indirect.gather [hbm4b:s4+s14], $0x40, s0, s14, $0xb8;
	[tilespmem:$0x1A610] =	vst v63  }
0x33: {  	_ = 	snop  }
0x34: {  	[tilespmem:s16], [sflag:$0x3] =	stream.indirect.gather [hbm4b:s4+s14], $0x40, s15, s14, $0xb8;
	[tilespmem:$0x1A610] =	vst v63  }
0x35: {  	_ =	swait.ge [sflag:s17], $0x2000  }
0x36: {  	[sflag:s17] =	ssyncset.done $0x0  }
0x37: {  	[sflag:s17] =	ssyncadd.s32 $0xFFFFE000  }
0x38: {  	_ =	swait.ge [sflag:s18], $0x2000  }
0x39: {  	[sflag:s18] =	ssyncset.done $0x0  }
0x3a: {  	[sflag:s18] =	ssyncadd.s32 $0xFFFFE000  }
0x3b: {  	_ =	swait.ge [sflag:s19], $0x2000  }
0x3c: {  	[sflag:s19] =	ssyncset.done $0x0  }
0x3d: {  	[sflag:s19] =	ssyncadd.s32 $0xFFFFE000  }
0x3e: {  	_ =	swait.ge [sflag:s17], $0x2000  }
0x3f: {  	[sflag:s17] =	ssyncset.done $0x0  }
0x40: {  	[sflag:s17] =	ssyncadd.s32 $0xFFFFE000  }
0x41: {  	_ =	swait.ge [sflag:s18], $0x2000  }
0x42: {  	[sflag:s18] =	ssyncset.done $0x0  }
0x43: {  	[sflag:s18] =	ssyncadd.s32 $0xFFFFE000  }
0x44: {  	_ =	swait.ge [sflag:s19], $0x2000  }
0x45: {  	[sflag:s19] =	ssyncset.done $0x0  }
0x46: {  	[sflag:s19] =	ssyncadd.s32 $0xFFFFE000  }
0x47: {  	_ =	swait.ge [sflag:s17], $0x2000  }
0x48: {  	[sflag:s17] =	ssyncset.done $0x0  }
0x49: {  	[sflag:s17] =	ssyncadd.s32 $0xFFFFE000  }
0x4a: {  	_ =	swait.ge [sflag:s18], $0x2000  }
0x4b: {  	[sflag:s18] =	ssyncset.done $0x0  }
0x4c: {  	[sflag:s18] =	ssyncadd.s32 $0xFFFFE000  }
0x4d: {  	_ =	swait.ge [sflag:s19], $0x2000  }
0x4e: {  	[sflag:s19] =	ssyncset.done $0x0  }
0x4f: {  	[sflag:s19] =	ssyncadd.s32 $0xFFFFE000  }
0x50: {  	_ =	swait.ge [sflag:s17], $0x2000  }
0x51: {  	[sflag:s17] =	ssyncset.done $0x0  }
0x52: {  	[sflag:s17] =	ssyncadd.s32 $0xFFFFE000  }
0x53: {  	_ =	swait.ge [sflag:s18], $0x2000  }
0x54: {  	[sflag:s18] =	ssyncset.done $0x0  }
0x55: {  	[sflag:s18] =	ssyncadd.s32 $0xFFFFE000  }
0x56: {  	_ =	swait.ge [sflag:s19], $0x2000  }
0x57: {  	[sflag:s19] =	ssyncset.done $0x0  }
0x58: {  	[sflag:s19] =	ssyncadd.s32 $0xFFFFE000  }
0x59: {  	s30 =	simm.s32 $0x0;
	[tilespmem:$0x1A600] =	vst v0  }
0x5a: {  	v1 =	vld [tilespmem:s30+$0x610]  }
0x5b: {  	v2 =	vld [tilespmem:s30+$0x8620]  }
0x5c: {  	v3 =	vld [tilespmem:s30+$0x8600]  }
0x5d: {  	v4 =	vld [tilespmem:s30+$0x10620]  }
0x5e: {  	v5 =	vld [tilespmem:s30+$0x8610]  }
0x5f: {  	v6 =	vld [tilespmem:s30+$0x10610]  }
0x60: {  	v7 =	vld [tilespmem:s30+$0x10600]  }
0x61: {  	v8 =	vld [tilespmem:s30+$0x600]  }
0x62: {  	v9 =	vld [tilespmem:s30+$0x620]  }
0x63: {  	v12 =	vld [tilespmem:s30+$0x10630]  }
0x64: {  	v15 =	vld [tilespmem:s30+$0x8630];
	v10 =	vmul.f32 v3, v3;
	v11 =	vmul.f32 v2, v2  }
0x65: {  	v14 =	vmul.f32 v5, v5;
	v5 =	vsub.f32 v5, v6;
	v3 =	vsub.f32 v3, v7  }
0x66: {  	v56 =	vld [tilespmem:s30+$0x630];
	v13 =	vmul.f32 v4, v4;
	v16 =	vmul.f32 v1, v1  }
0x67: {  	v2 =	vsub.f32 v2, v4;
	v1 =	vmul.f32 v5, v1;
	v3 =	vmul.f32 v3, v8  }
0x68: {  	v6 =	vmul.f32 v6, v6;
	v7 =	vmul.f32 v7, v7  }
0x69: {  	v2 =	vmul.f32 v2, v9;
	v1 =	vadd.f32 v1, v3;
	v3 =	vsub.f32 v15, v12  }
0x6a: {  	v57 =	vmul.f32 v8, v8;
	v60 =	vmul.f32 v15, v15;
	v6 =	vadd.f32 v6, v14  }
0x6b: {  	v7 =	vadd.f32 v7, v10;
	v1 =	vadd.f32 v2, v1;
	v2 =	vmul.f32 v3, v56  }
0x6c: {  	v61 =	vmul.f32 v12, v12;
	v59 =	vadd.f32 v13, v11;
	v6 =	vadd.f32 v6, v16  }
0x6d: {  	v58 =	vmul.f32 v9, v9;
	v5 =	vadd.f32 v7, v57;
	v1 =	vadd.f32 v2, v1  }
0x6e: {  	v63 =	vadd.f32 v61, v60  }
0x6f: {  	v4 =	vmul.f32 v56, v56;
	v62 =	vadd.f32 v59, v58;
	v3 =	vadd.f32 v6, v5;
	[tilespmem:s20+$0x0] =	vst v1  }
0x70: {  	v1 =	vld [tilespmem:$0x1A600]  }
0x71: {  	v2 =	vadd.f32 v62, v3;
	v3 =	vadd.f32 v63, v4  }
0x72: {  	s28 =	simm.s32 $0x300;
	s29 =	simm.s32 $0x18620;
	s23 =	simm.s32 $0x18620  }
0x73: {  	s25 =	simm.s32 $0x18610;
	s24 =	simm.s32 $0x80;
	s26 =	simm.s32 $0x40;
	v2 =	vadd.f32 v3, v2  }
.LBB2_2:
0x74: {  	p0 =	sne.s32 s28, $0x1FF00  }
0x75: {  	s29 =	sadd.s32 $0x10, s29;
	s30 =	smov.u32 s28;
	s28 =	sadd.s32 $0x100, s28;
	v1 =	vadd.f32 v2, v1  }
0x76: {  	_ = 	snop  }
0x77: {  	[tilespmem:$0x1A600] =	vst v1  }
0x78: {  	v1 =	vld [tilespmem:s26+$0x610]  }
0x79: {  	v2 =	vld [tilespmem:s26+$0x8620]  }
0x7a: {  	v3 =	vld [tilespmem:s26+$0x8600]  }
0x7b: {  	s30 =	sshra.s32 s30, $0x2;
	v4 =	vld [tilespmem:s26+$0x10620]  }
0x7c: {  	v5 =	vld [tilespmem:s26+$0x8610]  }
0x7d: {  	v6 =	vld [tilespmem:s26+$0x10610]  }
0x7e: {  	v7 =	vld [tilespmem:s26+$0x10600]  }
0x7f: {  	v8 =	vld [tilespmem:s26+$0x600];
	v9 =	vmul.f32 v3, v3  }
0x80: {  	v10 =	vld [tilespmem:s26+$0x620];
	v11 =	vsub.f32 v2, v4;
	v2 =	vmul.f32 v2, v2;
	v4 =	vmul.f32 v4, v4  }
0x81: {  	v12 =	vmul.f32 v5, v5;
	v13 =	vld [tilespmem:s26+$0x10630]  }
0x82: {  	v5 =	vsub.f32 v5, v6;
	v2 =	vadd.f32 v4, v2;
	v4 =	vld [tilespmem:s26+$0x8630]  }
0x83: {  	v14 =	vmul.f32 v1, v1;
	v6 =	vmul.f32 v6, v6;
	v3 =	vsub.f32 v3, v7  }
0x84: {  	v15 =	vmul.f32 v8, v8;
	v1 =	vmul.f32 v5, v1;
	v5 =	vld [tilespmem:s26+$0x630];
	s26 =	smov.u32 s24;
	s24 =	smov.u32 s30  }
0x85: {  	v6 =	vadd.f32 v6, v12;
	v3 =	vmul.f32 v3, v8;
	v8 =	vmul.f32 v10, v10  }
0x86: {  	v7 =	vmul.f32 v7, v7;
	v10 =	vmul.f32 v11, v10  }
0x87: {  	v1 =	vadd.f32 v1, v3;
	v3 =	vsub.f32 v4, v13;
	v4 =	vmul.f32 v4, v4  }
0x88: {  	v7 =	vadd.f32 v7, v9;
	v6 =	vadd.f32 v6, v14  }
0x89: {  	v1 =	vadd.f32 v10, v1;
	v3 =	vmul.f32 v3, v5  }
0x8a: {  	v7 =	vadd.f32 v7, v15  }
0x8b: {  	v9 =	vmul.f32 v13, v13;
	v1 =	vadd.f32 v3, v1  }
0x8c: {  	v3 =	vadd.f32 v6, v7  }
.Ltmp0:
0x8d: {  	v2 =	vadd.f32 v2, v8;
	v5 =	vmul.f32 v5, v5;
	v4 =	vadd.f32 v9, v4;
	[tilespmem:s25+$0x0] =	vst v1;
	s25 =	smov.u32 s23;
	s23 =	smov.u32 s29;
	(pc) =	sbr.rel @p0 .LBB2_2-.Ltmp0, $3  }
0x8e: {  	v1 =	vld [tilespmem:$0x1A600]  }
0x8f: {  	v2 =	vadd.f32 v2, v3;
	v3 =	vadd.f32 v4, v5;
	_ =	sdelay $0x1  }
0x90: {  	v2 =	vadd.f32 v3, v2  }
0x91: {  	_ = 	snop  }
0x92: {  	v1 =	vadd.f32 v2, v1;
	_ =	sdelay $0x1  }
0x93: {  	[tilespmem:$0x1A600] =	vst v1  }
0x94: {  	v1 =	vld [tilespmem:s26+$0x610]  }
0x95: {  	v2 =	vld [tilespmem:s26+$0x8620]  }
0x96: {  	v3 =	vld [tilespmem:s26+$0x8600]  }
0x97: {  	v4 =	vld [tilespmem:s26+$0x10620]  }
0x98: {  	v5 =	vld [tilespmem:s26+$0x8610]  }
0x99: {  	v6 =	vld [tilespmem:s26+$0x10610]  }
0x9a: {  	v7 =	vld [tilespmem:s26+$0x10600]  }
0x9b: {  	v8 =	vld [tilespmem:s26+$0x600]  }
0x9c: {  	v9 =	vld [tilespmem:s26+$0x620]  }
0x9d: {  	v10 =	vld [tilespmem:s26+$0x10630]  }
0x9e: {  	v13 =	vld [tilespmem:s26+$0x8630];
	v11 =	vmul.f32 v3, v3;
	v12 =	vmul.f32 v2, v2  }
0x9f: {  	v14 =	vmul.f32 v4, v4;
	v15 =	vsub.f32 v5, v6;
	v3 =	vsub.f32 v3, v7  }
0xa0: {  	v17 =	vld [tilespmem:s26+$0x630];
	v5 =	vmul.f32 v5, v5;
	v16 =	vmul.f32 v1, v1  }
0xa1: {  	v2 =	vsub.f32 v2, v4;
	v1 =	vmul.f32 v15, v1;
	v3 =	vmul.f32 v3, v8  }
0xa2: {  	v32 =	vmul.f32 v6, v6;
	v33 =	vmul.f32 v7, v7  }
0xa3: {  	v2 =	vmul.f32 v2, v9;
	v1 =	vadd.f32 v1, v3;
	v3 =	vsub.f32 v13, v10  }
0xa4: {  	v34 =	vmul.f32 v8, v8;
	v37 =	vmul.f32 v13, v13;
	v4 =	vadd.f32 v32, v5  }
0xa5: {  	v35 =	vadd.f32 v33, v11;
	v1 =	vadd.f32 v2, v1;
	v2 =	vmul.f32 v3, v17  }
0xa6: {  	v38 =	vmul.f32 v10, v10;
	v36 =	vadd.f32 v14, v12;
	v4 =	vadd.f32 v4, v16  }
0xa7: {  	v5 =	vadd.f32 v35, v34;
	v3 =	vmul.f32 v9, v9;
	v1 =	vadd.f32 v2, v1  }
0xa8: {  	v40 =	vadd.f32 v38, v37  }
0xa9: {  	v39 =	vmul.f32 v17, v17;
	v2 =	vadd.f32 v4, v5;
	v3 =	vadd.f32 v36, v3;
	[tilespmem:s25+$0x0] =	vst v1  }
0xaa: {  	v1 =	vld [tilespmem:$0x1A600]  }
0xab: {  	v2 =	vadd.f32 v3, v2;
	v3 =	vadd.f32 v40, v39;
	_ =	sdelay $0x1  }
0xac: {  	v2 =	vadd.f32 v3, v2;
	_ =	sdelay $0x1  }
0xad: {  	v1 =	vadd.f32 v2, v1;
	_ =	sdelay $0x1  }
0xae: {  	[tilespmem:$0x1A600] =	vst v1  }
0xaf: {  	v1 =	vld [tilespmem:s24+$0x610]  }
0xb0: {  	v2 =	vld [tilespmem:s24+$0x8620]  }
0xb1: {  	v3 =	vld [tilespmem:s24+$0x8600]  }
0xb2: {  	v41 =	vld [tilespmem:s24+$0x10620]  }
0xb3: {  	v42 =	vld [tilespmem:s24+$0x8610]  }
0xb4: {  	v43 =	vld [tilespmem:s24+$0x10610]  }
0xb5: {  	v44 =	vld [tilespmem:s24+$0x10600]  }
0xb6: {  	v45 =	vld [tilespmem:s24+$0x600]  }
0xb7: {  	v47 =	vld [tilespmem:s24+$0x10630]  }
0xb8: {  	v50 =	vld [tilespmem:s24+$0x8630]  }
0xb9: {  	v46 =	vld [tilespmem:s24+$0x620];
	v48 =	vmul.f32 v3, v3  }
0xba: {  	v49 =	vsub.f32 v42, v43;
	v51 =	vmul.f32 v2, v2;
	v3 =	vsub.f32 v3, v44  }
0xbb: {  	v53 =	vld [tilespmem:s24+$0x630];
	v52 =	vmul.f32 v41, v41;
	v5 =	vmul.f32 v42, v42  }
0xbc: {  	v2 =	vsub.f32 v2, v41;
	v12 =	vmul.f32 v49, v1;
	v3 =	vmul.f32 v3, v45  }
0xbd: {  	v54 =	vmul.f32 v43, v43;
	v55 =	vmul.f32 v44, v44;
	v56 =	vsub.f32 v50, v47  }
0xbe: {  	v8 =	vmul.f32 v45, v45;
	v2 =	vmul.f32 v2, v46;
	v3 =	vadd.f32 v12, v3  }
0xbf: {  	v61 =	vmul.f32 v50, v50;
	v1 =	vmul.f32 v1, v1;
	v4 =	vadd.f32 v54, v5  }
0xc0: {  	v57 =	vadd.f32 v55, v48;
	v2 =	vadd.f32 v2, v3;
	v3 =	vmul.f32 v56, v53  }
0xc1: {  	v62 =	vmul.f32 v47, v47;
	v58 =	vadd.f32 v52, v51;
	v1 =	vadd.f32 v4, v1  }
0xc2: {  	v59 =	vmul.f32 v46, v46;
	v60 =	vadd.f32 v57, v8;
	v2 =	vadd.f32 v3, v2  }
0xc3: {  	v5 =	vadd.f32 v62, v61  }
0xc4: {  	v63 =	vmul.f32 v53, v53;
	v1 =	vadd.f32 v1, v60;
	v3 =	vadd.f32 v58, v59;
	[tilespmem:s23+$0x0] =	vst v2  }
0xc5: {  	v2 =	vld [tilespmem:$0x1A600]  }
0xc6: {  	v1 =	vadd.f32 v3, v1;
	v3 =	vadd.f32 v5, v63;
	_ =	sdelay $0x1  }
0xc7: {  	v1 =	vadd.f32 v3, v1;
	_ =	sdelay $0x1  }
0xc8: {  	v1 =	vadd.f32 v1, v2;
	_ =	sdelay $0x1  }
0xc9: {  	[tilespmem:$0x1A600] =	vst v1  }
0xca: {  	[hbm4b:s8+s2] =	stream.linear.scatter [tilespmem:s20], [sflag:$0x4], $0x2000, $0x38;
	[tilespmem:$0x1A610] =	vst v63  }
0xcb: {  	s22 =	sadd.s32 $0x1, s22;
	_ =	swait.ge [sflag:s11], $0x2000  }
0xcc: {  	p0 =	sne.s32 s22, s10;
	[sflag:s11] =	ssyncset.done $0x0  }
.Ltmp1:
0xcd: {  	[sflag:s11] =	ssyncadd.s32 $0xFFFFE000;
	(pc) =	sbr.rel @p0 .LBB2_1-.Ltmp1, $4  }
0xce: {  	[hbm4b:s9+s2] =	stream.linear.scatter [tilespmem:s21], [sflag:$0x4], $0x10, $0x38;
	[tilespmem:$0x1A610] =	vst v63  }
0xcf: {  	_ =	swait.ge [sflag:s11], $0x10  }
0xd0: {  	[sflag:s11] =	ssyncset.done $0x0  }
0xd1: {  	[sflag:s11] =	ssyncadd.s32 $0xFFFFFFF0  }
0xd2: {  	_ =	sfence.sel $0x180000  }
0xd3: {  	[bflag:$0x0] =	sbarrier.arrive $0xFFFF  }
0xd4: {  	_ =	strace $0x90000047  }
0xd5: {  	s0 =	stileid.u32;
	[bflag:$0x2] =	sbarrier.arrive $0xFFFF  }
0xd6: {  	p0 =	sne.s32 s0, $0x0;
	s0 =	rddreg [dreg:$0x4]  }
0xd7: {  	s0 =	sadd.s32 @!p0 $0x100000, s0  }
0xd8: {  	[sflag:s0] =	ssyncadd.tile.s32 @!p0 $0x1;
	_ =	shalt  }
.Lfunc_end2:
_tile_overlayer_lowered:
.L_overlay_start_2:
0xd9: {  	(tag) =	ssettag $0x2  }
0xda: {  	s0 =	rddreg [dreg:$0x0];
	s2 =	stileid.u32  }
0xdb: {  	s1 =	rddreg [dreg:$0x1];
	p0 =	sne.s32 s2, $0x0  }
0xdc: {  	s3 =	rddreg [dreg:$0x2];
	[bflag:$0x3] =	sbarrier.arrive $0xFFFF;
	s2 =	simm.s32 @!p0 $0x1C04  }
0xdd: {  	[timem:s3], [sflag:s2] =	dma.local @!p0 [hbm:s0], s1  }
0xde: {  	s0 =	simm.s32 @!p0 $0x4  }
0xdf: {  	_ =	swait.ge @!p0 [sflag:s0], s1  }
0xe0: {  	s1 =	ssub.s32 @!p0 $0x0, s1;
	[sflag:s0] =	ssyncset.done @!p0 $0x0  }
0xe1: {  	[sflag:s0] =	ssyncadd.s32 @!p0 s1  }
0xe2: {  	[bflag:$0x3] =	sbarrier.arrive $0xFFFF  }
0xe3: {  	_ =	shalt  }

</sc_bundles>
